<compile_context>
chip_gen: v7x
topology: tpu7x:2x2x1
jax: 0.10.2.dev20260603
libtpu: 0.0.44.dev20260713+nightly
codegen_flags: <defaults>
</compile_context>

<pallas_src>
import jax
import jax.numpy as jnp
from jax import lax
from jax.experimental import pallas as pl
from jax.experimental.pallas import tpu as pltpu, tpu_sc as plsc

D = 1536
N_BINS = 16
_FUNC_V = 260
_RES_V = 1478


_TT = 32
_NW = 32


def _sc_body(table, idx_hbm, out, rows0, rows1, ib0, ib1,
             gsem0, gsem1, osem0, osem1, isem0, isem1):
    c = lax.axis_index("c")
    s = lax.axis_index("s")
    wid = s * 2 + c
    n_chunks = 8192 // _NW // _TT
    rows = [rows0, rows1]
    idxb = [ib0, ib1]
    gsems = [gsem0, gsem1]
    osems = [osem0, osem1]
    isems = [isem0, isem1]

    def issue_gather(ci, bi):
        pltpu.async_copy(
            idx_hbm.at[pl.ds((wid * n_chunks + ci) * _TT, _TT)], idxb[bi],
            isems[bi],
        ).wait()
        pltpu.async_copy(table.at[idxb[bi]], rows[bi], gsems[bi])

    def wait_gather(bi):
        pltpu.make_async_copy(table.at[idxb[bi]], rows[bi], gsems[bi]).wait()

    def issue_out(ci, bi):
        base = (wid * n_chunks + ci) * _TT
        pltpu.async_copy(rows[bi], out.at[pl.ds(base, _TT), :], osems[bi])

    def wait_out(bi):
        pltpu.make_async_copy(
            rows[bi], out.at[pl.ds(0, _TT), :], osems[bi]
        ).wait()

    issue_gather(0, 0)
    issue_gather(1, 1)
    for bi in (0, 1):
        wait_gather(bi)
        issue_out(bi, bi)

    def pair(p, carry):
        for bi in (0, 1):
            ci = p * 2 + bi
            wait_out(bi)
            issue_gather(ci, bi)
            wait_gather(bi)
            issue_out(ci, bi)
        return carry

    lax.fori_loop(1, n_chunks // 2, pair, 0)
    wait_out(0)
    wait_out(1)


def _sc_gather(table, idx, n):
    mesh = plsc.VectorSubcoreMesh(
        core_axis_name="c", subcore_axis_name="s", num_cores=2, num_subcores=16
    )
    fn = pl.kernel(
        _sc_body,
        out_type=jax.ShapeDtypeStruct((n, D), jnp.float32),
        mesh=mesh,
        scratch_types=[
            pltpu.VMEM((_TT, D), jnp.float32),
            pltpu.VMEM((_TT, D), jnp.float32),
            pltpu.VMEM((_TT,), jnp.int32),
            pltpu.VMEM((_TT,), jnp.int32),
            pltpu.SemaphoreType.DMA,
            pltpu.SemaphoreType.DMA,
            pltpu.SemaphoreType.DMA,
            pltpu.SemaphoreType.DMA,
            pltpu.SemaphoreType.DMA,
            pltpu.SemaphoreType.DMA,
        ],
    )
    return fn(table, idx)



_BT = 512


def _tc_body(part_ref, avg_ref, per_ref, seq_ref, ss8_ref, sasa_ref, func_ref,
             res_ref, wsmall_ref, ftab_ref, rtab_ref, bias_ref, o_ref):
    j = lax.broadcasted_iota(jnp.int32, (_BT, 128), 1)
    jf = j.astype(jnp.float32)
    xa = jnp.broadcast_to(avg_ref[:], (_BT, 128))
    xp = jnp.broadcast_to(per_ref[:], (_BT, 128))
    za = (xa - (jf - 94.0) * (1.0 / (N_BINS - 1))) * float(N_BINS)
    zp = (xp - (jf - 110.0) * (1.0 / (N_BINS - 1))) * float(N_BINS)
    f_seq = (j == jnp.broadcast_to(seq_ref[:], (_BT, 128))).astype(jnp.float32)
    f_ss8 = (j - 64 == jnp.broadcast_to(ss8_ref[:], (_BT, 128))).astype(jnp.float32)
    f_sasa = (j - 75 == jnp.broadcast_to(sasa_ref[:], (_BT, 128))).astype(jnp.float32)
    f = jnp.where(
        j < 64, f_seq,
        jnp.where(
            j < 75, f_ss8,
            jnp.where(
                j < 94, f_sasa,
                jnp.where(j < 110, jnp.exp(-za * za),
                          jnp.where(j < 126, jnp.exp(-zp * zp), 0.0)),
            ),
        ),
    )
    acc = part_ref[:] + lax.dot_general(
        f.astype(jnp.bfloat16), wsmall_ref[:], (((1,), (0,)), ((), ())),
        preferred_element_type=jnp.float32, precision=lax.Precision.DEFAULT,
    )
    cj = lax.broadcasted_iota(jnp.int32, (_BT, _RES_V), 1)
    counts = jnp.zeros((_BT, _RES_V), jnp.bfloat16)
    for k in range(16):
        counts = counts + (
            cj == jnp.broadcast_to(res_ref[:, k : k + 1], (_BT, _RES_V))
        ).astype(jnp.bfloat16)
    acc = acc + lax.dot_general(
        counts, rtab_ref[:],
        (((1,), (0,)), ((), ())),
        preferred_element_type=jnp.float32, precision=lax.Precision.DEFAULT,
    )
    pieces = []
    for i in range(8):
        oh = (
            lax.broadcasted_iota(jnp.int32, (_BT, _FUNC_V), 1)
            == jnp.broadcast_to(func_ref[:, i : i + 1], (_BT, _FUNC_V))
        ).astype(jnp.bfloat16)
        pieces.append(
            lax.dot_general(
                oh, ftab_ref[i * _FUNC_V : (i + 1) * _FUNC_V, :],
                (((1,), (0,)), ((), ())),
                preferred_element_type=jnp.float32,
                precision=lax.Precision.DEFAULT,
            )
        )
    o_ref[:] = acc + jnp.concatenate(pieces, axis=1) + bias_ref[:]


def _tc_part(part, avg, per, seq, ss8, sasa, func_tok, res_tok, wsmall, ftab,
             rtab, bias, n):
    col = lambda i: (i, 0)
    full = lambda i: (0, 0)
    return pl.pallas_call(
        _tc_body,
        grid=(n // _BT,),
        in_specs=[
            pl.BlockSpec((_BT, D), col),
            pl.BlockSpec((_BT, 1), col),
            pl.BlockSpec((_BT, 1), col),
            pl.BlockSpec((_BT, 1), col),
            pl.BlockSpec((_BT, 1), col),
            pl.BlockSpec((_BT, 1), col),
            pl.BlockSpec((_BT, 8), col),
            pl.BlockSpec((_BT, 16), col),
            pl.BlockSpec((128, D), full),
            pl.BlockSpec((8 * _FUNC_V, D // 8), full),
            pl.BlockSpec((_RES_V, D), full),
            pl.BlockSpec((1, D), full),
        ],
        out_specs=pl.BlockSpec((_BT, D), col),
        out_shape=jax.ShapeDtypeStruct((n, D), jnp.float32),
    )(part, avg, per, seq, ss8, sasa, func_tok, res_tok, wsmall, ftab, rtab,
      bias)


def _combine_body(a_ref, b_ref, o_ref):
    o_ref[:] = a_ref[:] + b_ref[:]


def _combine(a, b, n):
    col = lambda i: (i, 0)
    return pl.pallas_call(
        _combine_body,
        grid=(n // 1024,),
        in_specs=[
            pl.BlockSpec((1024, D), col),
            pl.BlockSpec((1024, D), col),
        ],
        out_specs=pl.BlockSpec((1024, D), col),
        out_shape=jax.ShapeDtypeStruct((n, D), jnp.float32),
    )(a, b)



def kernel(sequence_tokens, structure_tokens, average_plddt, per_res_plddt,
           ss8_tokens, sasa_tokens, function_tokens, residue_annotation_tokens,
           seq_table, struct_table, ss8_table, sasa_table, func_tables,
           residue_table, plddt_W, plddt_b, perres_W, perres_b):
    B, L = sequence_tokens.shape
    n = B * L

    part_s = _sc_gather(
        struct_table, structure_tokens.reshape(n).astype(jnp.int32), n
    )

    wsmall = jnp.concatenate(
        [seq_table, ss8_table, sasa_table, plddt_W, perres_W,
         jnp.zeros((2, D), jnp.float32)],
        axis=0,
    )
    bias = (plddt_b + perres_b).reshape(1, D)
    out = _tc_part(
        part_s,
        average_plddt.reshape(n, 1),
        per_res_plddt.reshape(n, 1),
        sequence_tokens.reshape(n, 1).astype(jnp.int32),
        ss8_tokens.reshape(n, 1).astype(jnp.int32),
        sasa_tokens.reshape(n, 1).astype(jnp.int32),
        function_tokens.reshape(n, 8).astype(jnp.int32),
        residue_annotation_tokens.reshape(n, 16).astype(jnp.int32),
        wsmall.astype(jnp.bfloat16),
        func_tables.reshape(8 * _FUNC_V, D // 8).astype(jnp.bfloat16),
        residue_table.astype(jnp.bfloat16),
        bias,
        n,
    )
    return out.reshape(B, L, D)

# --- scband reference (transcript-rebuilt; emitter-appended) ---
"""Pipeline reference for scband-hooked-esm3-embed-36593121362546 (READ-ONLY COPY).

The authoritative reference and input builder live on the scoring server;
editing this copy changes nothing except your own understanding.
"""

import jax, jax.numpy as jnp
import numpy as np

D_MODEL = 1536

def rbf(values, v_min=0.0, v_max=1.0, n_bins=16):
    centers = jnp.linspace(v_min, v_max, n_bins, dtype=values.dtype)
    std = (v_max - v_min) / n_bins
    z = (values[..., None] - centers) / std
    return jnp.exp(-(z ** 2))

def setup_inputs(seed: int = 0):
    key = jax.random.key(seed)
    ks = jax.random.split(key, 20)
    B, L = 4, 2048
    d = D_MODEL
    s = 0.02
    inp = {}
    inp["sequence_tokens"] = jax.random.randint(ks[0], (B, L), 0, 64)
    inp["structure_tokens"] = jax.random.randint(ks[1], (B, L), 0, 4101)
    inp["average_plddt"] = jax.random.uniform(ks[2], (B, L), dtype=jnp.float32)
    inp["per_res_plddt"] = jax.random.uniform(ks[3], (B, L), dtype=jnp.float32)
    inp["ss8_tokens"] = jax.random.randint(ks[4], (B, L), 0, 11)
    inp["sasa_tokens"] = jax.random.randint(ks[5], (B, L), 0, 19)
    inp["function_tokens"] = jax.random.randint(ks[6], (B, L, 8), 0, 260)
    inp["residue_annotation_tokens"] = jax.random.randint(ks[7], (B, L, 16), 0, 1478)
    inp["seq_table"] = jax.random.normal(ks[8], (64, d), dtype=jnp.float32) * s
    inp["struct_table"] = jax.random.normal(ks[9], (4101, d), dtype=jnp.float32) * s
    inp["ss8_table"] = jax.random.normal(ks[10], (11, d), dtype=jnp.float32) * s
    inp["sasa_table"] = jax.random.normal(ks[11], (19, d), dtype=jnp.float32) * s
    ft = jax.random.normal(ks[12], (8, 260, d // 8), dtype=jnp.float32) * s
    inp["func_tables"] = ft.at[:, 0, :].set(0.0)  # padding_idx=0
    rt = jax.random.normal(ks[13], (1478, d), dtype=jnp.float32) * s
    inp["residue_table"] = rt.at[0, :].set(0.0)  # EmbeddingBag padding_idx=0
    inp["plddt_W"] = jax.random.normal(ks[14], (16, d), dtype=jnp.float32) * s
    inp["plddt_b"] = jnp.zeros((d,), dtype=jnp.float32)
    inp["perres_W"] = jax.random.normal(ks[15], (16, d), dtype=jnp.float32) * s
    inp["perres_b"] = jnp.zeros((d,), dtype=jnp.float32)
    return inp

def reference(sequence_tokens, structure_tokens, average_plddt, per_res_plddt,
              ss8_tokens, sasa_tokens, function_tokens, residue_annotation_tokens,
              seq_table, struct_table, ss8_table, sasa_table, func_tables,
              residue_table, plddt_W, plddt_b, perres_W, perres_b):
    seq_e = jnp.take(seq_table, sequence_tokens, axis=0)
    plddt_e = rbf(average_plddt) @ plddt_W + plddt_b
    perres_e = rbf(per_res_plddt) @ perres_W + perres_b
    struct_e = jnp.take(struct_table, structure_tokens, axis=0)
    ss8_e = jnp.take(ss8_table, ss8_tokens, axis=0)
    sasa_e = jnp.take(sasa_table, sasa_tokens, axis=0)
    func_parts = [jnp.take(func_tables[i], function_tokens[..., i], axis=0) for i in range(8)]
    func_e = jnp.concatenate(func_parts, axis=-1)
    res_e = jnp.take(residue_table, residue_annotation_tokens, axis=0).sum(axis=-2)
    return seq_e + plddt_e + perres_e + struct_e + ss8_e + sasa_e + func_e + res_e

if __name__ == "__main__":
    import jax
    _d = setup_inputs()
    print(jax.jit(kernel)(*tuple(_d.values())))

</pallas_src>

<mosaic_0001>
#map = affine_map<(d0, d1) -> (0, 0)>
#map1 = affine_map<(d0, d1) -> (0)>
module attributes {stable_mosaic.version = 14 : i64} {
  func.func @_sc_body(%arg0: i32, %arg1: i32, %arg2: memref<4101x1536xf32, #tpu.memory_space<hbm>>, %arg3: memref<8192xi32, #tpu.memory_space<hbm>>, %arg4: memref<8192x1536xf32, #tpu.memory_space<hbm>>, %arg5: memref<32x1536xf32, #tpu.memory_space<vmem>>, %arg6: memref<32x1536xf32, #tpu.memory_space<vmem>>, %arg7: memref<32xi32, #tpu.memory_space<vmem>>, %arg8: memref<32xi32, #tpu.memory_space<vmem>>, %arg9: memref<!tpu.dma_semaphore, #tpu.memory_space<semaphore_mem>>, %arg10: memref<!tpu.dma_semaphore, #tpu.memory_space<semaphore_mem>>, %arg11: memref<!tpu.dma_semaphore, #tpu.memory_space<semaphore_mem>>, %arg12: memref<!tpu.dma_semaphore, #tpu.memory_space<semaphore_mem>>, %arg13: memref<!tpu.dma_semaphore, #tpu.memory_space<semaphore_mem>>, %arg14: memref<!tpu.dma_semaphore, #tpu.memory_space<semaphore_mem>>) attributes {dimension_semantics = [#tpu.dimension_semantics<core_parallel>, #tpu.dimension_semantics<subcore_parallel>], iteration_bounds = array<i64: 2, 16>, scalar_prefetch = 0 : i64, scratch_operands = 10 : i64, tpu.core_type = #tpu.core_type<sc_vector_subcore>, window_params = [{transform_indices = #map}, {transform_indices = #map1}, {transform_indices = #map}]} {
    %mul3A = arith.constant 2 : i32
    %mul3A_0 = arith.muli %arg1, %mul3A : i32
    %add3A = arith.addi %mul3A_0, %arg0 : i32
    %mul3A_1 = arith.constant 8 : i32
    %mul3A_2 = arith.muli %add3A, %mul3A_1 : i32
    %add3A_3 = arith.constant 0 : i32
    %add3A_4 = arith.addi %mul3A_2, %add3A_3 : i32
    %mul3A_5 = arith.constant 32 : i32
    %mul3A_6 = arith.muli %add3A_4, %mul3A_5 : i32
    %dma_start3A = tpu.memref_slice %arg3[%mul3A_6] : memref<8192xi32, #tpu.memory_space<hbm>> -> memref<32xi32, #tpu.memory_space<hbm>>
    %dma_start3A_7 = tpu.memref_slice %arg3[%mul3A_6] : memref<8192xi32, #tpu.memory_space<hbm>> -> memref<32xi32, #tpu.memory_space<hbm>>
    tpu.enqueue_dma source(%dma_start3A_7 : memref<32xi32, #tpu.memory_space<hbm>>) target(%arg7 : memref<32xi32, #tpu.memory_space<vmem>>) target_semaphore(%arg13 : memref<!tpu.dma_semaphore, #tpu.memory_space<semaphore_mem>>)
    %dma_wait3A = tpu.memref_slice %arg3[%mul3A_6] : memref<8192xi32, #tpu.memory_space<hbm>> -> memref<32xi32, #tpu.memory_space<hbm>>
    %dma_wait3A_8 = tpu.memref_slice %arg3[%mul3A_6] : memref<8192xi32, #tpu.memory_space<hbm>> -> memref<32xi32, #tpu.memory_space<hbm>>
    tpu.wait_dma2 semaphore(%arg13 : memref<!tpu.dma_semaphore, #tpu.memory_space<semaphore_mem>>) src(%dma_wait3A_8 : memref<32xi32, #tpu.memory_space<hbm>>) dst(%arg7 : memref<32xi32, #tpu.memory_space<vmem>>)
    %dma_start3A_9 = arith.constant 0 : i32
    %dma_start3A_10 = arith.constant 0 : i32
    %dma_start3A_11 = tpu.memref_slice %arg2[%dma_start3A_9, %dma_start3A_10] : memref<4101x1536xf32, #tpu.memory_space<hbm>> -> memref<4101x1536xf32, #tpu.memory_space<hbm>>
    tpu.enqueue_indirect_dma source(%dma_start3A_11 : memref<4101x1536xf32, #tpu.memory_space<hbm>>) target(%arg5 : memref<32x1536xf32, #tpu.memory_space<vmem>>) offsets(%arg7 : memref<32xi32, #tpu.memory_space<vmem>>) semaphore(%arg9 : memref<!tpu.dma_semaphore, #tpu.memory_space<semaphore_mem>>)
    %mul3A_12 = arith.constant 8 : i32
    %mul3A_13 = arith.muli %add3A, %mul3A_12 : i32
    %add3A_14 = arith.constant 1 : i32
    %add3A_15 = arith.addi %mul3A_13, %add3A_14 : i32
    %mul3A_16 = arith.constant 32 : i32
    %mul3A_17 = arith.muli %add3A_15, %mul3A_16 : i32
    %dma_start3A_18 = tpu.memref_slice %arg3[%mul3A_17] : memref<8192xi32, #tpu.memory_space<hbm>> -> memref<32xi32, #tpu.memory_space<hbm>>
    %dma_start3A_19 = tpu.memref_slice %arg3[%mul3A_17] : memref<8192xi32, #tpu.memory_space<hbm>> -> memref<32xi32, #tpu.memory_space<hbm>>
    tpu.enqueue_dma source(%dma_start3A_19 : memref<32xi32, #tpu.memory_space<hbm>>) target(%arg8 : memref<32xi32, #tpu.memory_space<vmem>>) target_semaphore(%arg14 : memref<!tpu.dma_semaphore, #tpu.memory_space<semaphore_mem>>)
    %dma_wait3A_20 = tpu.memref_slice %arg3[%mul3A_17] : memref<8192xi32, #tpu.memory_space<hbm>> -> memref<32xi32, #tpu.memory_space<hbm>>
    %dma_wait3A_21 = tpu.memref_slice %arg3[%mul3A_17] : memref<8192xi32, #tpu.memory_space<hbm>> -> memref<32xi32, #tpu.memory_space<hbm>>
    tpu.wait_dma2 semaphore(%arg14 : memref<!tpu.dma_semaphore, #tpu.memory_space<semaphore_mem>>) src(%dma_wait3A_21 : memref<32xi32, #tpu.memory_space<hbm>>) dst(%arg8 : memref<32xi32, #tpu.memory_space<vmem>>)
    %dma_start3A_22 = arith.constant 0 : i32
    %dma_start3A_23 = arith.constant 0 : i32
    %dma_start3A_24 = tpu.memref_slice %arg2[%dma_start3A_22, %dma_start3A_23] : memref<4101x1536xf32, #tpu.memory_space<hbm>> -> memref<4101x1536xf32, #tpu.memory_space<hbm>>
    tpu.enqueue_indirect_dma source(%dma_start3A_24 : memref<4101x1536xf32, #tpu.memory_space<hbm>>) target(%arg6 : memref<32x1536xf32, #tpu.memory_space<vmem>>) offsets(%arg8 : memref<32xi32, #tpu.memory_space<vmem>>) semaphore(%arg10 : memref<!tpu.dma_semaphore, #tpu.memory_space<semaphore_mem>>)
    %dma_wait3A_25 = arith.constant 0 : i32
    %dma_wait3A_26 = arith.constant 0 : i32
    %dma_wait3A_27 = tpu.memref_slice %arg2[%dma_wait3A_25, %dma_wait3A_26] : memref<4101x1536xf32, #tpu.memory_space<hbm>> -> memref<4101x1536xf32, #tpu.memory_space<hbm>>
    tpu.wait_indirect_dma semaphore(%arg9 : memref<!tpu.dma_semaphore, #tpu.memory_space<semaphore_mem>>) src(%dma_wait3A_27 : memref<4101x1536xf32, #tpu.memory_space<hbm>>) dst(%arg5 : memref<32x1536xf32, #tpu.memory_space<vmem>>)
    %mul3A_28 = arith.constant 8 : i32
    %mul3A_29 = arith.muli %add3A, %mul3A_28 : i32
    %add3A_30 = arith.constant 0 : i32
    %add3A_31 = arith.addi %mul3A_29, %add3A_30 : i32
    %mul3A_32 = arith.constant 32 : i32
    %mul3A_33 = arith.muli %add3A_31, %mul3A_32 : i32
    %dma_start3A_34 = arith.constant 0 : i32
    %dma_start3A_35 = tpu.memref_slice %arg4[%mul3A_33, %dma_start3A_34] : memref<8192x1536xf32, #tpu.memory_space<hbm>> -> memref<32x1536xf32, #tpu.memory_space<hbm>>
    %dma_start3A_36 = arith.constant 0 : i32
    %dma_start3A_37 = tpu.memref_slice %arg4[%mul3A_33, %dma_start3A_36] : memref<8192x1536xf32, #tpu.memory_space<hbm>> -> memref<32x1536xf32, #tpu.memory_space<hbm>>
    tpu.enqueue_dma source(%arg5 : memref<32x1536xf32, #tpu.memory_space<vmem>>) target(%dma_start3A_37 : memref<32x1536xf32, #tpu.memory_space<hbm>>) target_semaphore(%arg11 : memref<!tpu.dma_semaphore, #tpu.memory_space<semaphore_mem>>)
    %dma_wait3A_38 = arith.constant 0 : i32
    %dma_wait3A_39 = arith.constant 0 : i32
    %dma_wait3A_40 = tpu.memref_slice %arg2[%dma_wait3A_38, %dma_wait3A_39] : memref<4101x1536xf32, #tpu.memory_space<hbm>> -> memref<4101x1536xf32, #tpu.memory_space<hbm>>
    tpu.wait_indirect_dma semaphore(%arg10 : memref<!tpu.dma_semaphore, #tpu.memory_space<semaphore_mem>>) src(%dma_wait3A_40 : memref<4101x1536xf32, #tpu.memory_space<hbm>>) dst(%arg6 : memref<32x1536xf32, #tpu.memory_space<vmem>>)
    %mul3A_41 = arith.constant 8 : i32
    %mul3A_42 = arith.muli %add3A, %mul3A_41 : i32
    %add3A_43 = arith.constant 1 : i32
    %add3A_44 = arith.addi %mul3A_42, %add3A_43 : i32
    %mul3A_45 = arith.constant 32 : i32
    %mul3A_46 = arith.muli %add3A_44, %mul3A_45 : i32
    %dma_start3A_47 = arith.constant 0 : i32
    %dma_start3A_48 = tpu.memref_slice %arg4[%mul3A_46, %dma_start3A_47] : memref<8192x1536xf32, #tpu.memory_space<hbm>> -> memref<32x1536xf32, #tpu.memory_space<hbm>>
    %dma_start3A_49 = arith.constant 0 : i32
    %dma_start3A_50 = tpu.memref_slice %arg4[%mul3A_46, %dma_start3A_49] : memref<8192x1536xf32, #tpu.memory_space<hbm>> -> memref<32x1536xf32, #tpu.memory_space<hbm>>
    tpu.enqueue_dma source(%arg6 : memref<32x1536xf32, #tpu.memory_space<vmem>>) target(%dma_start3A_50 : memref<32x1536xf32, #tpu.memory_space<hbm>>) target_semaphore(%arg12 : memref<!tpu.dma_semaphore, #tpu.memory_space<semaphore_mem>>)
    %scan3A = arith.constant 0 : i32
    %scan3A_51 = arith.constant 1 : i32
    %scan3A_52 = arith.constant 3 : i32
    %scan3A_53 = arith.addi %scan3A_51, %scan3A_52 : i32
    %scan3A_54 = arith.constant 1 : i32
    scf.for %scan3A_68 = %scan3A_51 to %scan3A_53 step %scan3A_54  : i32 {
      %mul3A_69 = arith.constant 2 : i32
      %mul3A_70 = arith.muli %scan3A_68, %mul3A_69 : i32
      %add3A_71 = arith.constant 0 : i32
      %add3A_72 = arith.addi %mul3A_70, %add3A_71 : i32
      %dma_wait3A_73 = arith.constant 0 : i32
      %dma_wait3A_74 = arith.constant 0 : i32
      %dma_wait3A_75 = tpu.memref_slice %arg4[%dma_wait3A_73, %dma_wait3A_74] : memref<8192x1536xf32, #tpu.memory_space<hbm>> -> memref<32x1536xf32, #tpu.memory_space<hbm>>
      %dma_wait3A_76 = arith.constant 0 : i32
      %dma_wait3A_77 = arith.constant 0 : i32
      %dma_wait3A_78 = tpu.memref_slice %arg4[%dma_wait3A_76, %dma_wait3A_77] : memref<8192x1536xf32, #tpu.memory_space<hbm>> -> memref<32x1536xf32, #tpu.memory_space<hbm>>
      tpu.wait_dma2 semaphore(%arg11 : memref<!tpu.dma_semaphore, #tpu.memory_space<semaphore_mem>>) src(%arg5 : memref<32x1536xf32, #tpu.memory_space<vmem>>) dst(%dma_wait3A_78 : memref<32x1536xf32, #tpu.memory_space<hbm>>)
      %mul3A_79 = arith.constant 8 : i32
      %mul3A_80 = arith.muli %add3A, %mul3A_79 : i32
      %add3A_81 = arith.addi %mul3A_80, %add3A_72 : i32
      %mul3A_82 = arith.constant 32 : i32
      %mul3A_83 = arith.muli %add3A_81, %mul3A_82 : i32
      %dma_start3A_84 = tpu.memref_slice %arg3[%mul3A_83] : memref<8192xi32, #tpu.memory_space<hbm>> -> memref<32xi32, #tpu.memory_space<hbm>>
      %dma_start3A_85 = tpu.memref_slice %arg3[%mul3A_83] : memref<8192xi32, #tpu.memory_space<hbm>> -> memref<32xi32, #tpu.memory_space<hbm>>
      tpu.enqueue_dma source(%dma_start3A_85 : memref<32xi32, #tpu.memory_space<hbm>>) target(%arg7 : memref<32xi32, #tpu.memory_space<vmem>>) target_semaphore(%arg13 : memref<!tpu.dma_semaphore, #tpu.memory_space<semaphore_mem>>)
      %dma_wait3A_86 = tpu.memref_slice %arg3[%mul3A_83] : memref<8192xi32, #tpu.memory_space<hbm>> -> memref<32xi32, #tpu.memory_space<hbm>>
      %dma_wait3A_87 = tpu.memref_slice %arg3[%mul3A_83] : memref<8192xi32, #tpu.memory_space<hbm>> -> memref<32xi32, #tpu.memory_space<hbm>>
      tpu.wait_dma2 semaphore(%arg13 : memref<!tpu.dma_semaphore, #tpu.memory_space<semaphore_mem>>) src(%dma_wait3A_87 : memref<32xi32, #tpu.memory_space<hbm>>) dst(%arg7 : memref<32xi32, #tpu.memory_space<vmem>>)
      %dma_start3A_88 = arith.constant 0 : i32
      %dma_start3A_89 = arith.constant 0 : i32
      %dma_start3A_90 = tpu.memref_slice %arg2[%dma_start3A_88, %dma_start3A_89] : memref<4101x1536xf32, #tpu.memory_space<hbm>> -> memref<4101x1536xf32, #tpu.memory_space<hbm>>
      tpu.enqueue_indirect_dma source(%dma_start3A_90 : memref<4101x1536xf32, #tpu.memory_space<hbm>>) target(%arg5 : memref<32x1536xf32, #tpu.memory_space<vmem>>) offsets(%arg7 : memref<32xi32, #tpu.memory_space<vmem>>) semaphore(%arg9 : memref<!tpu.dma_semaphore, #tpu.memory_space<semaphore_mem>>)
      %dma_wait3A_91 = arith.constant 0 : i32
      %dma_wait3A_92 = arith.constant 0 : i32
      %dma_wait3A_93 = tpu.memref_slice %arg2[%dma_wait3A_91, %dma_wait3A_92] : memref<4101x1536xf32, #tpu.memory_space<hbm>> -> memref<4101x1536xf32, #tpu.memory_space<hbm>>
      tpu.wait_indirect_dma semaphore(%arg9 : memref<!tpu.dma_semaphore, #tpu.memory_space<semaphore_mem>>) src(%dma_wait3A_93 : memref<4101x1536xf32, #tpu.memory_space<hbm>>) dst(%arg5 : memref<32x1536xf32, #tpu.memory_space<vmem>>)
      %mul3A_94 = arith.constant 8 : i32
      %mul3A_95 = arith.muli %add3A, %mul3A_94 : i32
      %add3A_96 = arith.addi %mul3A_95, %add3A_72 : i32
      %mul3A_97 = arith.constant 32 : i32
      %mul3A_98 = arith.muli %add3A_96, %mul3A_97 : i32
      %dma_start3A_99 = arith.constant 0 : i32
      %dma_start3A_100 = tpu.memref_slice %arg4[%mul3A_98, %dma_start3A_99] : memref<8192x1536xf32, #tpu.memory_space<hbm>> -> memref<32x1536xf32, #tpu.memory_space<hbm>>
      %dma_start3A_101 = arith.constant 0 : i32
      %dma_start3A_102 = tpu.memref_slice %arg4[%mul3A_98, %dma_start3A_101] : memref<8192x1536xf32, #tpu.memory_space<hbm>> -> memref<32x1536xf32, #tpu.memory_space<hbm>>
      tpu.enqueue_dma source(%arg5 : memref<32x1536xf32, #tpu.memory_space<vmem>>) target(%dma_start3A_102 : memref<32x1536xf32, #tpu.memory_space<hbm>>) target_semaphore(%arg11 : memref<!tpu.dma_semaphore, #tpu.memory_space<semaphore_mem>>)
      %mul3A_103 = arith.constant 2 : i32
      %mul3A_104 = arith.muli %scan3A_68, %mul3A_103 : i32
      %add3A_105 = arith.constant 1 : i32
      %add3A_106 = arith.addi %mul3A_104, %add3A_105 : i32
      %dma_wait3A_107 = arith.constant 0 : i32
      %dma_wait3A_108 = arith.constant 0 : i32
      %dma_wait3A_109 = tpu.memref_slice %arg4[%dma_wait3A_107, %dma_wait3A_108] : memref<8192x1536xf32, #tpu.memory_space<hbm>> -> memref<32x1536xf32, #tpu.memory_space<hbm>>
      %dma_wait3A_110 = arith.constant 0 : i32
      %dma_wait3A_111 = arith.constant 0 : i32
      %dma_wait3A_112 = tpu.memref_slice %arg4[%dma_wait3A_110, %dma_wait3A_111] : memref<8192x1536xf32, #tpu.memory_space<hbm>> -> memref<32x1536xf32, #tpu.memory_space<hbm>>
      tpu.wait_dma2 semaphore(%arg12 : memref<!tpu.dma_semaphore, #tpu.memory_space<semaphore_mem>>) src(%arg6 : memref<32x1536xf32, #tpu.memory_space<vmem>>) dst(%dma_wait3A_112 : memref<32x1536xf32, #tpu.memory_space<hbm>>)
      %mul3A_113 = arith.constant 8 : i32
      %mul3A_114 = arith.muli %add3A, %mul3A_113 : i32
      %add3A_115 = arith.addi %mul3A_114, %add3A_106 : i32
      %mul3A_116 = arith.constant 32 : i32
      %mul3A_117 = arith.muli %add3A_115, %mul3A_116 : i32
      %dma_start3A_118 = tpu.memref_slice %arg3[%mul3A_117] : memref<8192xi32, #tpu.memory_space<hbm>> -> memref<32xi32, #tpu.memory_space<hbm>>
      %dma_start3A_119 = tpu.memref_slice %arg3[%mul3A_117] : memref<8192xi32, #tpu.memory_space<hbm>> -> memref<32xi32, #tpu.memory_space<hbm>>
      tpu.enqueue_dma source(%dma_start3A_119 : memref<32xi32, #tpu.memory_space<hbm>>) target(%arg8 : memref<32xi32, #tpu.memory_space<vmem>>) target_semaphore(%arg14 : memref<!tpu.dma_semaphore, #tpu.memory_space<semaphore_mem>>)
      %dma_wait3A_120 = tpu.memref_slice %arg3[%mul3A_117] : memref<8192xi32, #tpu.memory_space<hbm>> -> memref<32xi32, #tpu.memory_space<hbm>>
      %dma_wait3A_121 = tpu.memref_slice %arg3[%mul3A_117] : memref<8192xi32, #tpu.memory_space<hbm>> -> memref<32xi32, #tpu.memory_space<hbm>>
      tpu.wait_dma2 semaphore(%arg14 : memref<!tpu.dma_semaphore, #tpu.memory_space<semaphore_mem>>) src(%dma_wait3A_121 : memref<32xi32, #tpu.memory_space<hbm>>) dst(%arg8 : memref<32xi32, #tpu.memory_space<vmem>>)
      %dma_start3A_122 = arith.constant 0 : i32
      %dma_start3A_123 = arith.constant 0 : i32
      %dma_start3A_124 = tpu.memref_slice %arg2[%dma_start3A_122, %dma_start3A_123] : memref<4101x1536xf32, #tpu.memory_space<hbm>> -> memref<4101x1536xf32, #tpu.memory_space<hbm>>
      tpu.enqueue_indirect_dma source(%dma_start3A_124 : memref<4101x1536xf32, #tpu.memory_space<hbm>>) target(%arg6 : memref<32x1536xf32, #tpu.memory_space<vmem>>) offsets(%arg8 : memref<32xi32, #tpu.memory_space<vmem>>) semaphore(%arg10 : memref<!tpu.dma_semaphore, #tpu.memory_space<semaphore_mem>>)
      %dma_wait3A_125 = arith.constant 0 : i32
      %dma_wait3A_126 = arith.constant 0 : i32
      %dma_wait3A_127 = tpu.memref_slice %arg2[%dma_wait3A_125, %dma_wait3A_126] : memref<4101x1536xf32, #tpu.memory_space<hbm>> -> memref<4101x1536xf32, #tpu.memory_space<hbm>>
      tpu.wait_indirect_dma semaphore(%arg10 : memref<!tpu.dma_semaphore, #tpu.memory_space<semaphore_mem>>) src(%dma_wait3A_127 : memref<4101x1536xf32, #tpu.memory_space<hbm>>) dst(%arg6 : memref<32x1536xf32, #tpu.memory_space<vmem>>)
      %mul3A_128 = arith.constant 8 : i32
      %mul3A_129 = arith.muli %add3A, %mul3A_128 : i32
      %add3A_130 = arith.addi %mul3A_129, %add3A_106 : i32
      %mul3A_131 = arith.constant 32 : i32
      %mul3A_132 = arith.muli %add3A_130, %mul3A_131 : i32
      %dma_start3A_133 = arith.constant 0 : i32
      %dma_start3A_134 = tpu.memref_slice %arg4[%mul3A_132, %dma_start3A_133] : memref<8192x1536xf32, #tpu.memory_space<hbm>> -> memref<32x1536xf32, #tpu.memory_space<hbm>>
      %dma_start3A_135 = arith.constant 0 : i32
      %dma_start3A_136 = tpu.memref_slice %arg4[%mul3A_132, %dma_start3A_135] : memref<8192x1536xf32, #tpu.memory_space<hbm>> -> memref<32x1536xf32, #tpu.memory_space<hbm>>
      tpu.enqueue_dma source(%arg6 : memref<32x1536xf32, #tpu.memory_space<vmem>>) target(%dma_start3A_136 : memref<32x1536xf32, #tpu.memory_space<hbm>>) target_semaphore(%arg12 : memref<!tpu.dma_semaphore, #tpu.memory_space<semaphore_mem>>)
    }
    %scan3A_55 = arith.constant 3 : i32
    %dma_wait3A_56 = arith.constant 0 : i32
    %dma_wait3A_57 = arith.constant 0 : i32
    %dma_wait3A_58 = tpu.memref_slice %arg4[%dma_wait3A_56, %dma_wait3A_57] : memref<8192x1536xf32, #tpu.memory_space<hbm>> -> memref<32x1536xf32, #tpu.memory_space<hbm>>
    %dma_wait3A_59 = arith.constant 0 : i32
    %dma_wait3A_60 = arith.constant 0 : i32
    %dma_wait3A_61 = tpu.memref_slice %arg4[%dma_wait3A_59, %dma_wait3A_60] : memref<8192x1536xf32, #tpu.memory_space<hbm>> -> memref<32x1536xf32, #tpu.memory_space<hbm>>
    tpu.wait_dma2 semaphore(%arg11 : memref<!tpu.dma_semaphore, #tpu.memory_space<semaphore_mem>>) src(%arg5 : memref<32x1536xf32, #tpu.memory_space<vmem>>) dst(%dma_wait3A_61 : memref<32x1536xf32, #tpu.memory_space<hbm>>)
    %dma_wait3A_62 = arith.constant 0 : i32
    %dma_wait3A_63 = arith.constant 0 : i32
    %dma_wait3A_64 = tpu.memref_slice %arg4[%dma_wait3A_62, %dma_wait3A_63] : memref<8192x1536xf32, #tpu.memory_space<hbm>> -> memref<32x1536xf32, #tpu.memory_space<hbm>>
    %dma_wait3A_65 = arith.constant 0 : i32
    %dma_wait3A_66 = arith.constant 0 : i32
    %dma_wait3A_67 = tpu.memref_slice %arg4[%dma_wait3A_65, %dma_wait3A_66] : memref<8192x1536xf32, #tpu.memory_space<hbm>> -> memref<32x1536xf32, #tpu.memory_space<hbm>>
    tpu.wait_dma2 semaphore(%arg12 : memref<!tpu.dma_semaphore, #tpu.memory_space<semaphore_mem>>) src(%arg6 : memref<32x1536xf32, #tpu.memory_space<vmem>>) dst(%dma_wait3A_67 : memref<32x1536xf32, #tpu.memory_space<hbm>>)
    return
  }
}

module attributes {stable_mosaic.version = 14 : i64} {
  func.func @_tc_body(%arg0: i32, %arg1: memref<512x1536xf32, #tpu.memory_space<vmem>>, %arg2: memref<512x1xf32, #tpu.memory_space<vmem>>, %arg3: memref<512x1xf32, #tpu.memory_space<vmem>>, %arg4: memref<512x1xi32, #tpu.memory_space<vmem>>, %arg5: memref<512x1xi32, #tpu.memory_space<vmem>>, %arg6: memref<512x1xi32, #tpu.memory_space<vmem>>, %arg7: memref<512x8xi32, #tpu.memory_space<vmem>>, %arg8: memref<512x16xi32, #tpu.memory_space<vmem>>, %arg9: memref<128x1536xbf16, #tpu.memory_space<vmem>>, %arg10: memref<2080x192xbf16, #tpu.memory_space<vmem>>, %arg11: memref<1478x1536xbf16, #tpu.memory_space<vmem>>, %arg12: memref<1x1536xf32, #tpu.memory_space<vmem>>, %arg13: memref<512x1536xf32, #tpu.memory_space<vmem>>) attributes {dimension_semantics = [#tpu.dimension_semantics<arbitrary>], iteration_bounds = array<i64: 16>, scalar_prefetch = 0 : i64, scratch_operands = 0 : i64, tpu.core_type = #tpu.core_type<tc>, window_params = [{transform_indices = @transform_0, window_bounds = array<i64: 512, 1536>}, {transform_indices = @transform_1, window_bounds = array<i64: 512, 1>}, {transform_indices = @transform_2, window_bounds = array<i64: 512, 1>}, {transform_indices = @transform_3, window_bounds = array<i64: 512, 1>}, {transform_indices = @transform_4, window_bounds = array<i64: 512, 1>}, {transform_indices = @transform_5, window_bounds = array<i64: 512, 1>}, {transform_indices = @transform_6, window_bounds = array<i64: 512, 8>}, {transform_indices = @transform_7, window_bounds = array<i64: 512, 16>}, {pipeline_mode = #tpu.pipeline_mode<synchronous>, transform_indices = @transform_8, window_bounds = array<i64: 128, 1536>}, {pipeline_mode = #tpu.pipeline_mode<synchronous>, transform_indices = @transform_9, window_bounds = array<i64: 2080, 192>}, {pipeline_mode = #tpu.pipeline_mode<synchronous>, transform_indices = @transform_10, window_bounds = array<i64: 1478, 1536>}, {pipeline_mode = #tpu.pipeline_mode<synchronous>, transform_indices = @transform_11, window_bounds = array<i64: 1, 1536>}, {transform_indices = @transform_12, window_bounds = array<i64: 512, 1536>}]} {
    %iota3A = tpu.iota {dimensions = array<i32: 1>} : vector<512x128xi32>
    %convert_element_type3A = arith.sitofp %iota3A : vector<512x128xi32> to vector<512x128xf32>
    %get3A = arith.constant 0 : index
    %get3A_0 = arith.constant 0 : index
    %get3A_1 = vector.load %arg2[%get3A, %get3A_0] : memref<512x1xf32, #tpu.memory_space<vmem>>, vector<512x1xf32>
    %broadcast_in_dim3A = vector.shape_cast %get3A_1 : vector<512x1xf32> to vector<512x1xf32>
    %broadcast_in_dim3A_2 = vector.broadcast %broadcast_in_dim3A : vector<512x1xf32> to vector<512x128xf32>
    %get3A_3 = arith.constant 0 : index
    %get3A_4 = arith.constant 0 : index
    %get3A_5 = vector.load %arg3[%get3A_3, %get3A_4] : memref<512x1xf32, #tpu.memory_space<vmem>>, vector<512x1xf32>
    %broadcast_in_dim3A_6 = vector.shape_cast %get3A_5 : vector<512x1xf32> to vector<512x1xf32>
    %broadcast_in_dim3A_7 = vector.broadcast %broadcast_in_dim3A_6 : vector<512x1xf32> to vector<512x128xf32>
    %sub3A = arith.constant 9.400000e+01 : f32
    %sub3A_8 = vector.broadcast %sub3A : f32 to vector<512x128xf32>
    %sub3A_9 = arith.subf %convert_element_type3A, %sub3A_8 : vector<512x128xf32>
    %mul3A = arith.constant 0.0666666701 : f32
    %mul3A_10 = vector.broadcast %mul3A : f32 to vector<512x128xf32>
    %mul3A_11 = arith.mulf %sub3A_9, %mul3A_10 : vector<512x128xf32>
    %sub3A_12 = arith.subf %broadcast_in_dim3A_2, %mul3A_11 : vector<512x128xf32>
    %mul3A_13 = arith.constant 1.600000e+01 : f32
    %mul3A_14 = vector.broadcast %mul3A_13 : f32 to vector<512x128xf32>
    %mul3A_15 = arith.mulf %sub3A_12, %mul3A_14 : vector<512x128xf32>
    %sub3A_16 = arith.constant 1.100000e+02 : f32
    %sub3A_17 = vector.broadcast %sub3A_16 : f32 to vector<512x128xf32>
    %sub3A_18 = arith.subf %convert_element_type3A, %sub3A_17 : vector<512x128xf32>
    %mul3A_19 = arith.constant 0.0666666701 : f32
    %mul3A_20 = vector.broadcast %mul3A_19 : f32 to vector<512x128xf32>
    %mul3A_21 = arith.mulf %sub3A_18, %mul3A_20 : vector<512x128xf32>
    %sub3A_22 = arith.subf %broadcast_in_dim3A_7, %mul3A_21 : vector<512x128xf32>
    %mul3A_23 = arith.constant 1.600000e+01 : f32
    %mul3A_24 = vector.broadcast %mul3A_23 : f32 to vector<512x128xf32>
    %mul3A_25 = arith.mulf %sub3A_22, %mul3A_24 : vector<512x128xf32>
    %get3A_26 = arith.constant 0 : index
    %get3A_27 = arith.constant 0 : index
    %get3A_28 = vector.load %arg4[%get3A_26, %get3A_27] : memref<512x1xi32, #tpu.memory_space<vmem>>, vector<512x1xi32>
    %broadcast_in_dim3A_29 = vector.shape_cast %get3A_28 : vector<512x1xi32> to vector<512x1xi32>
    %broadcast_in_dim3A_30 = vector.broadcast %broadcast_in_dim3A_29 : vector<512x1xi32> to vector<512x128xi32>
    %eq3A = arith.cmpi eq, %iota3A, %broadcast_in_dim3A_30 : vector<512x128xi32>
    %convert_element_type3A_31 = arith.extui %eq3A : vector<512x128xi1> to vector<512x128xi32>
    %convert_element_type3A_32 = arith.sitofp %convert_element_type3A_31 : vector<512x128xi32> to vector<512x128xf32>
    %sub3A_33 = arith.constant 64 : i32
    %sub3A_34 = vector.broadcast %sub3A_33 : i32 to vector<512x128xi32>
    %sub3A_35 = arith.subi %iota3A, %sub3A_34 : vector<512x128xi32>
    %get3A_36 = arith.constant 0 : index
    %get3A_37 = arith.constant 0 : index
    %get3A_38 = vector.load %arg5[%get3A_36, %get3A_37] : memref<512x1xi32, #tpu.memory_space<vmem>>, vector<512x1xi32>
    %broadcast_in_dim3A_39 = vector.shape_cast %get3A_38 : vector<512x1xi32> to vector<512x1xi32>
    %broadcast_in_dim3A_40 = vector.broadcast %broadcast_in_dim3A_39 : vector<512x1xi32> to vector<512x128xi32>
    %eq3A_41 = arith.cmpi eq, %sub3A_35, %broadcast_in_dim3A_40 : vector<512x128xi32>
    %convert_element_type3A_42 = arith.extui %eq3A_41 : vector<512x128xi1> to vector<512x128xi32>
    %convert_element_type3A_43 = arith.sitofp %convert_element_type3A_42 : vector<512x128xi32> to vector<512x128xf32>
    %sub3A_44 = arith.constant 75 : i32
    %sub3A_45 = vector.broadcast %sub3A_44 : i32 to vector<512x128xi32>
    %sub3A_46 = arith.subi %iota3A, %sub3A_45 : vector<512x128xi32>
    %get3A_47 = arith.constant 0 : index
    %get3A_48 = arith.constant 0 : index
    %get3A_49 = vector.load %arg6[%get3A_47, %get3A_48] : memref<512x1xi32, #tpu.memory_space<vmem>>, vector<512x1xi32>
    %broadcast_in_dim3A_50 = vector.shape_cast %get3A_49 : vector<512x1xi32> to vector<512x1xi32>
    %broadcast_in_dim3A_51 = vector.broadcast %broadcast_in_dim3A_50 : vector<512x1xi32> to vector<512x128xi32>
    %eq3A_52 = arith.cmpi eq, %sub3A_46, %broadcast_in_dim3A_51 : vector<512x128xi32>
    %convert_element_type3A_53 = arith.extui %eq3A_52 : vector<512x128xi1> to vector<512x128xi32>
    %convert_element_type3A_54 = arith.sitofp %convert_element_type3A_53 : vector<512x128xi32> to vector<512x128xf32>
    %lt3A = arith.constant 64 : i32
    %lt3A_55 = vector.broadcast %lt3A : i32 to vector<512x128xi32>
    %lt3A_56 = arith.cmpi slt, %iota3A, %lt3A_55 : vector<512x128xi32>
    %lt3A_57 = arith.constant 75 : i32
    %lt3A_58 = vector.broadcast %lt3A_57 : i32 to vector<512x128xi32>
    %lt3A_59 = arith.cmpi slt, %iota3A, %lt3A_58 : vector<512x128xi32>
    %lt3A_60 = arith.constant 94 : i32
    %lt3A_61 = vector.broadcast %lt3A_60 : i32 to vector<512x128xi32>
    %lt3A_62 = arith.cmpi slt, %iota3A, %lt3A_61 : vector<512x128xi32>
    %lt3A_63 = arith.constant 110 : i32
    %lt3A_64 = vector.broadcast %lt3A_63 : i32 to vector<512x128xi32>
    %lt3A_65 = arith.cmpi slt, %iota3A, %lt3A_64 : vector<512x128xi32>
    %neg3A = arith.constant 0.000000e+00 : f32
    %neg3A_66 = vector.broadcast %neg3A : f32 to vector<512x128xf32>
    %neg3A_67 = arith.subf %neg3A_66, %mul3A_15 : vector<512x128xf32>
    %mul3A_68 = arith.mulf %neg3A_67, %mul3A_15 : vector<512x128xf32>
    %exp3A = math.exp %mul3A_68 : vector<512x128xf32>
    %lt3A_69 = arith.constant 126 : i32
    %lt3A_70 = vector.broadcast %lt3A_69 : i32 to vector<512x128xi32>
    %lt3A_71 = arith.cmpi slt, %iota3A, %lt3A_70 : vector<512x128xi32>
    %neg3A_72 = arith.constant 0.000000e+00 : f32
    %neg3A_73 = vector.broadcast %neg3A_72 : f32 to vector<512x128xf32>
    %neg3A_74 = arith.subf %neg3A_73, %mul3A_25 : vector<512x128xf32>
    %mul3A_75 = arith.mulf %neg3A_74, %mul3A_25 : vector<512x128xf32>
    %exp3A_76 = math.exp %mul3A_75 : vector<512x128xf32>
    %jit3A = arith.constant 0.000000e+00 : f32
    %broadcast_in_dim3A_77 = vector.broadcast %jit3A : f32 to vector<512x128xf32>
    %select_n3A = arith.select %lt3A_71, %exp3A_76, %broadcast_in_dim3A_77 : vector<512x128xi1>, vector<512x128xf32>
    %select_n3A_78 = arith.select %lt3A_65, %exp3A, %select_n3A : vector<512x128xi1>, vector<512x128xf32>
    %select_n3A_79 = arith.select %lt3A_62, %convert_element_type3A_54, %select_n3A_78 : vector<512x128xi1>, vector<512x128xf32>
    %select_n3A_80 = arith.select %lt3A_59, %convert_element_type3A_43, %select_n3A_79 : vector<512x128xi1>, vector<512x128xf32>
    %select_n3A_81 = arith.select %lt3A_56, %convert_element_type3A_32, %select_n3A_80 : vector<512x128xi1>, vector<512x128xf32>
    %get3A_82 = arith.constant 0 : index
    %get3A_83 = arith.constant 0 : index
    %get3A_84 = vector.load %arg1[%get3A_82, %get3A_83] : memref<512x1536xf32, #tpu.memory_space<vmem>>, vector<512x1536xf32>
    %convert_element_type3A_85 = arith.truncf %select_n3A_81 : vector<512x128xf32> to vector<512x128xbf16>
    %get3A_86 = arith.constant 0 : index
    %get3A_87 = arith.constant 0 : index
    %get3A_88 = vector.load %arg9[%get3A_86, %get3A_87] : memref<128x1536xbf16, #tpu.memory_space<vmem>>, vector<128x1536xbf16>
    %dot_general3A = arith.constant dense<0.000000e+00> : vector<512x1536xf32>
    %dot_general3A_89 = tpu.matmul %convert_element_type3A_85, %get3A_88, %dot_general3A {dimension_numbers = #tpu.dot_dimension_numbers<[1], [0], [0], [1], [0, 0, 1, 1], [], []>, transpose_lhs_hint = false} : vector<512x128xbf16>, vector<128x1536xbf16>, vector<512x1536xf32> -> vector<512x1536xf32>
    %add3A = arith.addf %get3A_84, %dot_general3A_89 : vector<512x1536xf32>
    %iota3A_90 = tpu.iota {dimensions = array<i32: 1>} : vector<512x1478xi32>
    %broadcast_in_dim3A_91 = arith.constant 0.000000e+00 : bf16
    %broadcast_in_dim3A_92 = vector.broadcast %broadcast_in_dim3A_91 : bf16 to vector<512x1478xbf16>
    %get3A_93 = arith.constant 0 : index
    %get3A_94 = arith.constant 0 : index
    %get3A_95 = vector.load %arg8[%get3A_93, %get3A_94] : memref<512x16xi32, #tpu.memory_space<vmem>>, vector<512x1xi32>
    %broadcast_in_dim3A_96 = vector.shape_cast %get3A_95 : vector<512x1xi32> to vector<512x1xi32>
    %broadcast_in_dim3A_97 = vector.broadcast %broadcast_in_dim3A_96 : vector<512x1xi32> to vector<512x1478xi32>
    %eq3A_98 = arith.cmpi eq, %iota3A_90, %broadcast_in_dim3A_97 : vector<512x1478xi32>
    %convert_element_type3A_99 = arith.extui %eq3A_98 : vector<512x1478xi1> to vector<512x1478xi32>
    %convert_element_type3A_100 = arith.sitofp %convert_element_type3A_99 : vector<512x1478xi32> to vector<512x1478xf32>
    %convert_element_type3A_101 = arith.truncf %convert_element_type3A_100 : vector<512x1478xf32> to vector<512x1478xbf16>
    %add3A_102 = arith.addf %broadcast_in_dim3A_92, %convert_element_type3A_101 : vector<512x1478xbf16>
    %get3A_103 = arith.constant 0 : index
    %get3A_104 = arith.constant 1 : index
    %get3A_105 = vector.load %arg8[%get3A_103, %get3A_104] : memref<512x16xi32, #tpu.memory_space<vmem>>, vector<512x1xi32>
    %broadcast_in_dim3A_106 = vector.shape_cast %get3A_105 : vector<512x1xi32> to vector<512x1xi32>
    %broadcast_in_dim3A_107 = vector.broadcast %broadcast_in_dim3A_106 : vector<512x1xi32> to vector<512x1478xi32>
    %eq3A_108 = arith.cmpi eq, %iota3A_90, %broadcast_in_dim3A_107 : vector<512x1478xi32>
    %convert_element_type3A_109 = arith.extui %eq3A_108 : vector<512x1478xi1> to vector<512x1478xi32>
    %convert_element_type3A_110 = arith.sitofp %convert_element_type3A_109 : vector<512x1478xi32> to vector<512x1478xf32>
    %convert_element_type3A_111 = arith.truncf %convert_element_type3A_110 : vector<512x1478xf32> to vector<512x1478xbf16>
    %add3A_112 = arith.addf %add3A_102, %convert_element_type3A_111 : vector<512x1478xbf16>
    %get3A_113 = arith.constant 0 : index
    %get3A_114 = arith.constant 2 : index
    %get3A_115 = vector.load %arg8[%get3A_113, %get3A_114] : memref<512x16xi32, #tpu.memory_space<vmem>>, vector<512x1xi32>
    %broadcast_in_dim3A_116 = vector.shape_cast %get3A_115 : vector<512x1xi32> to vector<512x1xi32>
    %broadcast_in_dim3A_117 = vector.broadcast %broadcast_in_dim3A_116 : vector<512x1xi32> to vector<512x1478xi32>
    %eq3A_118 = arith.cmpi eq, %iota3A_90, %broadcast_in_dim3A_117 : vector<512x1478xi32>
    %convert_element_type3A_119 = arith.extui %eq3A_118 : vector<512x1478xi1> to vector<512x1478xi32>
    %convert_element_type3A_120 = arith.sitofp %convert_element_type3A_119 : vector<512x1478xi32> to vector<512x1478xf32>
    %convert_element_type3A_121 = arith.truncf %convert_element_type3A_120 : vector<512x1478xf32> to vector<512x1478xbf16>
    %add3A_122 = arith.addf %add3A_112, %convert_element_type3A_121 : vector<512x1478xbf16>
    %get3A_123 = arith.constant 0 : index
    %get3A_124 = arith.constant 3 : index
    %get3A_125 = vector.load %arg8[%get3A_123, %get3A_124] : memref<512x16xi32, #tpu.memory_space<vmem>>, vector<512x1xi32>
    %broadcast_in_dim3A_126 = vector.shape_cast %get3A_125 : vector<512x1xi32> to vector<512x1xi32>
    %broadcast_in_dim3A_127 = vector.broadcast %broadcast_in_dim3A_126 : vector<512x1xi32> to vector<512x1478xi32>
    %eq3A_128 = arith.cmpi eq, %iota3A_90, %broadcast_in_dim3A_127 : vector<512x1478xi32>
    %convert_element_type3A_129 = arith.extui %eq3A_128 : vector<512x1478xi1> to vector<512x1478xi32>
    %convert_element_type3A_130 = arith.sitofp %convert_element_type3A_129 : vector<512x1478xi32> to vector<512x1478xf32>
    %convert_element_type3A_131 = arith.truncf %convert_element_type3A_130 : vector<512x1478xf32> to vector<512x1478xbf16>
    %add3A_132 = arith.addf %add3A_122, %convert_element_type3A_131 : vector<512x1478xbf16>
    %get3A_133 = arith.constant 0 : index
    %get3A_134 = arith.constant 4 : index
    %get3A_135 = vector.load %arg8[%get3A_133, %get3A_134] : memref<512x16xi32, #tpu.memory_space<vmem>>, vector<512x1xi32>
    %broadcast_in_dim3A_136 = vector.shape_cast %get3A_135 : vector<512x1xi32> to vector<512x1xi32>
    %broadcast_in_dim3A_137 = vector.broadcast %broadcast_in_dim3A_136 : vector<512x1xi32> to vector<512x1478xi32>
    %eq3A_138 = arith.cmpi eq, %iota3A_90, %broadcast_in_dim3A_137 : vector<512x1478xi32>
    %convert_element_type3A_139 = arith.extui %eq3A_138 : vector<512x1478xi1> to vector<512x1478xi32>
    %convert_element_type3A_140 = arith.sitofp %convert_element_type3A_139 : vector<512x1478xi32> to vector<512x1478xf32>
    %convert_element_type3A_141 = arith.truncf %convert_element_type3A_140 : vector<512x1478xf32> to vector<512x1478xbf16>
    %add3A_142 = arith.addf %add3A_132, %convert_element_type3A_141 : vector<512x1478xbf16>
    %get3A_143 = arith.constant 0 : index
    %get3A_144 = arith.constant 5 : index
    %get3A_145 = vector.load %arg8[%get3A_143, %get3A_144] : memref<512x16xi32, #tpu.memory_space<vmem>>, vector<512x1xi32>
    %broadcast_in_dim3A_146 = vector.shape_cast %get3A_145 : vector<512x1xi32> to vector<512x1xi32>
    %broadcast_in_dim3A_147 = vector.broadcast %broadcast_in_dim3A_146 : vector<512x1xi32> to vector<512x1478xi32>
    %eq3A_148 = arith.cmpi eq, %iota3A_90, %broadcast_in_dim3A_147 : vector<512x1478xi32>
    %convert_element_type3A_149 = arith.extui %eq3A_148 : vector<512x1478xi1> to vector<512x1478xi32>
    %convert_element_type3A_150 = arith.sitofp %convert_element_type3A_149 : vector<512x1478xi32> to vector<512x1478xf32>
    %convert_element_type3A_151 = arith.truncf %convert_element_type3A_150 : vector<512x1478xf32> to vector<512x1478xbf16>
    %add3A_152 = arith.addf %add3A_142, %convert_element_type3A_151 : vector<512x1478xbf16>
    %get3A_153 = arith.constant 0 : index
    %get3A_154 = arith.constant 6 : index
    %get3A_155 = vector.load %arg8[%get3A_153, %get3A_154] : memref<512x16xi32, #tpu.memory_space<vmem>>, vector<512x1xi32>
    %broadcast_in_dim3A_156 = vector.shape_cast %get3A_155 : vector<512x1xi32> to vector<512x1xi32>
    %broadcast_in_dim3A_157 = vector.broadcast %broadcast_in_dim3A_156 : vector<512x1xi32> to vector<512x1478xi32>
    %eq3A_158 = arith.cmpi eq, %iota3A_90, %broadcast_in_dim3A_157 : vector<512x1478xi32>
    %convert_element_type3A_159 = arith.extui %eq3A_158 : vector<512x1478xi1> to vector<512x1478xi32>
    %convert_element_type3A_160 = arith.sitofp %convert_element_type3A_159 : vector<512x1478xi32> to vector<512x1478xf32>
    %convert_element_type3A_161 = arith.truncf %convert_element_type3A_160 : vector<512x1478xf32> to vector<512x1478xbf16>
    %add3A_162 = arith.addf %add3A_152, %convert_element_type3A_161 : vector<512x1478xbf16>
    %get3A_163 = arith.constant 0 : index
    %get3A_164 = arith.constant 7 : index
    %get3A_165 = vector.load %arg8[%get3A_163, %get3A_164] : memref<512x16xi32, #tpu.memory_space<vmem>>, vector<512x1xi32>
    %broadcast_in_dim3A_166 = vector.shape_cast %get3A_165 : vector<512x1xi32> to vector<512x1xi32>
    %broadcast_in_dim3A_167 = vector.broadcast %broadcast_in_dim3A_166 : vector<512x1xi32> to vector<512x1478xi32>
    %eq3A_168 = arith.cmpi eq, %iota3A_90, %broadcast_in_dim3A_167 : vector<512x1478xi32>
    %convert_element_type3A_169 = arith.extui %eq3A_168 : vector<512x1478xi1> to vector<512x1478xi32>
    %convert_element_type3A_170 = arith.sitofp %convert_element_type3A_169 : vector<512x1478xi32> to vector<512x1478xf32>
    %convert_element_type3A_171 = arith.truncf %convert_element_type3A_170 : vector<512x1478xf32> to vector<512x1478xbf16>
    %add3A_172 = arith.addf %add3A_162, %convert_element_type3A_171 : vector<512x1478xbf16>
    %get3A_173 = arith.constant 0 : index
    %get3A_174 = arith.constant 8 : index
    %get3A_175 = vector.load %arg8[%get3A_173, %get3A_174] : memref<512x16xi32, #tpu.memory_space<vmem>>, vector<512x1xi32>
    %broadcast_in_dim3A_176 = vector.shape_cast %get3A_175 : vector<512x1xi32> to vector<512x1xi32>
    %broadcast_in_dim3A_177 = vector.broadcast %broadcast_in_dim3A_176 : vector<512x1xi32> to vector<512x1478xi32>
    %eq3A_178 = arith.cmpi eq, %iota3A_90, %broadcast_in_dim3A_177 : vector<512x1478xi32>
    %convert_element_type3A_179 = arith.extui %eq3A_178 : vector<512x1478xi1> to vector<512x1478xi32>
    %convert_element_type3A_180 = arith.sitofp %convert_element_type3A_179 : vector<512x1478xi32> to vector<512x1478xf32>
    %convert_element_type3A_181 = arith.truncf %convert_element_type3A_180 : vector<512x1478xf32> to vector<512x1478xbf16>
    %add3A_182 = arith.addf %add3A_172, %convert_element_type3A_181 : vector<512x1478xbf16>
    %get3A_183 = arith.constant 0 : index
    %get3A_184 = arith.constant 9 : index
    %get3A_185 = vector.load %arg8[%get3A_183, %get3A_184] : memref<512x16xi32, #tpu.memory_space<vmem>>, vector<512x1xi32>
    %broadcast_in_dim3A_186 = vector.shape_cast %get3A_185 : vector<512x1xi32> to vector<512x1xi32>
    %broadcast_in_dim3A_187 = vector.broadcast %broadcast_in_dim3A_186 : vector<512x1xi32> to vector<512x1478xi32>
    %eq3A_188 = arith.cmpi eq, %iota3A_90, %broadcast_in_dim3A_187 : vector<512x1478xi32>
    %convert_element_type3A_189 = arith.extui %eq3A_188 : vector<512x1478xi1> to vector<512x1478xi32>
    %convert_element_type3A_190 = arith.sitofp %convert_element_type3A_189 : vector<512x1478xi32> to vector<512x1478xf32>
    %convert_element_type3A_191 = arith.truncf %convert_element_type3A_190 : vector<512x1478xf32> to vector<512x1478xbf16>
    %add3A_192 = arith.addf %add3A_182, %convert_element_type3A_191 : vector<512x1478xbf16>
    %get3A_193 = arith.constant 0 : index
    %get3A_194 = arith.constant 10 : index
    %get3A_195 = vector.load %arg8[%get3A_193, %get3A_194] : memref<512x16xi32, #tpu.memory_space<vmem>>, vector<512x1xi32>
    %broadcast_in_dim3A_196 = vector.shape_cast %get3A_195 : vector<512x1xi32> to vector<512x1xi32>
    %broadcast_in_dim3A_197 = vector.broadcast %broadcast_in_dim3A_196 : vector<512x1xi32> to vector<512x1478xi32>
    %eq3A_198 = arith.cmpi eq, %iota3A_90, %broadcast_in_dim3A_197 : vector<512x1478xi32>
    %convert_element_type3A_199 = arith.extui %eq3A_198 : vector<512x1478xi1> to vector<512x1478xi32>
    %convert_element_type3A_200 = arith.sitofp %convert_element_type3A_199 : vector<512x1478xi32> to vector<512x1478xf32>
    %convert_element_type3A_201 = arith.truncf %convert_element_type3A_200 : vector<512x1478xf32> to vector<512x1478xbf16>
    %add3A_202 = arith.addf %add3A_192, %convert_element_type3A_201 : vector<512x1478xbf16>
    %get3A_203 = arith.constant 0 : index
    %get3A_204 = arith.constant 11 : index
    %get3A_205 = vector.load %arg8[%get3A_203, %get3A_204] : memref<512x16xi32, #tpu.memory_space<vmem>>, vector<512x1xi32>
    %broadcast_in_dim3A_206 = vector.shape_cast %get3A_205 : vector<512x1xi32> to vector<512x1xi32>
    %broadcast_in_dim3A_207 = vector.broadcast %broadcast_in_dim3A_206 : vector<512x1xi32> to vector<512x1478xi32>
    %eq3A_208 = arith.cmpi eq, %iota3A_90, %broadcast_in_dim3A_207 : vector<512x1478xi32>
    %convert_element_type3A_209 = arith.extui %eq3A_208 : vector<512x1478xi1> to vector<512x1478xi32>
    %convert_element_type3A_210 = arith.sitofp %convert_element_type3A_209 : vector<512x1478xi32> to vector<512x1478xf32>
    %convert_element_type3A_211 = arith.truncf %convert_element_type3A_210 : vector<512x1478xf32> to vector<512x1478xbf16>
    %add3A_212 = arith.addf %add3A_202, %convert_element_type3A_211 : vector<512x1478xbf16>
    %get3A_213 = arith.constant 0 : index
    %get3A_214 = arith.constant 12 : index
    %get3A_215 = vector.load %arg8[%get3A_213, %get3A_214] : memref<512x16xi32, #tpu.memory_space<vmem>>, vector<512x1xi32>
    %broadcast_in_dim3A_216 = vector.shape_cast %get3A_215 : vector<512x1xi32> to vector<512x1xi32>
    %broadcast_in_dim3A_217 = vector.broadcast %broadcast_in_dim3A_216 : vector<512x1xi32> to vector<512x1478xi32>
    %eq3A_218 = arith.cmpi eq, %iota3A_90, %broadcast_in_dim3A_217 : vector<512x1478xi32>
    %convert_element_type3A_219 = arith.extui %eq3A_218 : vector<512x1478xi1> to vector<512x1478xi32>
    %convert_element_type3A_220 = arith.sitofp %convert_element_type3A_219 : vector<512x1478xi32> to vector<512x1478xf32>
    %convert_element_type3A_221 = arith.truncf %convert_element_type3A_220 : vector<512x1478xf32> to vector<512x1478xbf16>
    %add3A_222 = arith.addf %add3A_212, %convert_element_type3A_221 : vector<512x1478xbf16>
    %get3A_223 = arith.constant 0 : index
    %get3A_224 = arith.constant 13 : index
    %get3A_225 = vector.load %arg8[%get3A_223, %get3A_224] : memref<512x16xi32, #tpu.memory_space<vmem>>, vector<512x1xi32>
    %broadcast_in_dim3A_226 = vector.shape_cast %get3A_225 : vector<512x1xi32> to vector<512x1xi32>
    %broadcast_in_dim3A_227 = vector.broadcast %broadcast_in_dim3A_226 : vector<512x1xi32> to vector<512x1478xi32>
    %eq3A_228 = arith.cmpi eq, %iota3A_90, %broadcast_in_dim3A_227 : vector<512x1478xi32>
    %convert_element_type3A_229 = arith.extui %eq3A_228 : vector<512x1478xi1> to vector<512x1478xi32>
    %convert_element_type3A_230 = arith.sitofp %convert_element_type3A_229 : vector<512x1478xi32> to vector<512x1478xf32>
    %convert_element_type3A_231 = arith.truncf %convert_element_type3A_230 : vector<512x1478xf32> to vector<512x1478xbf16>
    %add3A_232 = arith.addf %add3A_222, %convert_element_type3A_231 : vector<512x1478xbf16>
    %get3A_233 = arith.constant 0 : index
    %get3A_234 = arith.constant 14 : index
    %get3A_235 = vector.load %arg8[%get3A_233, %get3A_234] : memref<512x16xi32, #tpu.memory_space<vmem>>, vector<512x1xi32>
    %broadcast_in_dim3A_236 = vector.shape_cast %get3A_235 : vector<512x1xi32> to vector<512x1xi32>
    %broadcast_in_dim3A_237 = vector.broadcast %broadcast_in_dim3A_236 : vector<512x1xi32> to vector<512x1478xi32>
    %eq3A_238 = arith.cmpi eq, %iota3A_90, %broadcast_in_dim3A_237 : vector<512x1478xi32>
    %convert_element_type3A_239 = arith.extui %eq3A_238 : vector<512x1478xi1> to vector<512x1478xi32>
    %convert_element_type3A_240 = arith.sitofp %convert_element_type3A_239 : vector<512x1478xi32> to vector<512x1478xf32>
    %convert_element_type3A_241 = arith.truncf %convert_element_type3A_240 : vector<512x1478xf32> to vector<512x1478xbf16>
    %add3A_242 = arith.addf %add3A_232, %convert_element_type3A_241 : vector<512x1478xbf16>
    %get3A_243 = arith.constant 0 : index
    %get3A_244 = arith.constant 15 : index
    %get3A_245 = vector.load %arg8[%get3A_243, %get3A_244] : memref<512x16xi32, #tpu.memory_space<vmem>>, vector<512x1xi32>
    %broadcast_in_dim3A_246 = vector.shape_cast %get3A_245 : vector<512x1xi32> to vector<512x1xi32>
    %broadcast_in_dim3A_247 = vector.broadcast %broadcast_in_dim3A_246 : vector<512x1xi32> to vector<512x1478xi32>
    %eq3A_248 = arith.cmpi eq, %iota3A_90, %broadcast_in_dim3A_247 : vector<512x1478xi32>
    %convert_element_type3A_249 = arith.extui %eq3A_248 : vector<512x1478xi1> to vector<512x1478xi32>
    %convert_element_type3A_250 = arith.sitofp %convert_element_type3A_249 : vector<512x1478xi32> to vector<512x1478xf32>
    %convert_element_type3A_251 = arith.truncf %convert_element_type3A_250 : vector<512x1478xf32> to vector<512x1478xbf16>
    %add3A_252 = arith.addf %add3A_242, %convert_element_type3A_251 : vector<512x1478xbf16>
    %get3A_253 = arith.constant 0 : index
    %get3A_254 = arith.constant 0 : index
    %get3A_255 = vector.load %arg11[%get3A_253, %get3A_254] : memref<1478x1536xbf16, #tpu.memory_space<vmem>>, vector<1478x1536xbf16>
    %dot_general3A_256 = arith.constant dense<0.000000e+00> : vector<512x1536xf32>
    %dot_general3A_257 = tpu.matmul %add3A_252, %get3A_255, %dot_general3A_256 {dimension_numbers = #tpu.dot_dimension_numbers<[1], [0], [0], [1], [0, 0, 1, 1], [], []>, transpose_lhs_hint = false} : vector<512x1478xbf16>, vector<1478x1536xbf16>, vector<512x1536xf32> -> vector<512x1536xf32>
    %add3A_258 = arith.addf %add3A, %dot_general3A_257 : vector<512x1536xf32>
    %iota3A_259 = tpu.iota {dimensions = array<i32: 1>} : vector<512x260xi32>
    %get3A_260 = arith.constant 0 : index
    %get3A_261 = arith.constant 0 : index
    %get3A_262 = vector.load %arg7[%get3A_260, %get3A_261] : memref<512x8xi32, #tpu.memory_space<vmem>>, vector<512x1xi32>
    %broadcast_in_dim3A_263 = vector.shape_cast %get3A_262 : vector<512x1xi32> to vector<512x1xi32>
    %broadcast_in_dim3A_264 = vector.broadcast %broadcast_in_dim3A_263 : vector<512x1xi32> to vector<512x260xi32>
    %eq3A_265 = arith.cmpi eq, %iota3A_259, %broadcast_in_dim3A_264 : vector<512x260xi32>
    %convert_element_type3A_266 = arith.extui %eq3A_265 : vector<512x260xi1> to vector<512x260xi32>
    %convert_element_type3A_267 = arith.sitofp %convert_element_type3A_266 : vector<512x260xi32> to vector<512x260xf32>
    %convert_element_type3A_268 = arith.truncf %convert_element_type3A_267 : vector<512x260xf32> to vector<512x260xbf16>
    %get3A_269 = arith.constant 0 : index
    %get3A_270 = arith.constant 0 : index
    %get3A_271 = vector.load %arg10[%get3A_269, %get3A_270] : memref<2080x192xbf16, #tpu.memory_space<vmem>>, vector<260x192xbf16>
    %dot_general3A_272 = arith.constant dense<0.000000e+00> : vector<512x192xf32>
    %dot_general3A_273 = tpu.matmul %convert_element_type3A_268, %get3A_271, %dot_general3A_272 {dimension_numbers = #tpu.dot_dimension_numbers<[1], [0], [0], [1], [0, 0, 1, 1], [], []>, transpose_lhs_hint = false} : vector<512x260xbf16>, vector<260x192xbf16>, vector<512x192xf32> -> vector<512x192xf32>
    %iota3A_274 = tpu.iota {dimensions = array<i32: 1>} : vector<512x260xi32>
    %get3A_275 = arith.constant 0 : index
    %get3A_276 = arith.constant 1 : index
    %get3A_277 = vector.load %arg7[%get3A_275, %get3A_276] : memref<512x8xi32, #tpu.memory_space<vmem>>, vector<512x1xi32>
    %broadcast_in_dim3A_278 = vector.shape_cast %get3A_277 : vector<512x1xi32> to vector<512x1xi32>
    %broadcast_in_dim3A_279 = vector.broadcast %broadcast_in_dim3A_278 : vector<512x1xi32> to vector<512x260xi32>
    %eq3A_280 = arith.cmpi eq, %iota3A_274, %broadcast_in_dim3A_279 : vector<512x260xi32>
    %convert_element_type3A_281 = arith.extui %eq3A_280 : vector<512x260xi1> to vector<512x260xi32>
    %convert_element_type3A_282 = arith.sitofp %convert_element_type3A_281 : vector<512x260xi32> to vector<512x260xf32>
    %convert_element_type3A_283 = arith.truncf %convert_element_type3A_282 : vector<512x260xf32> to vector<512x260xbf16>
    %get3A_284 = arith.constant 260 : index
    %get3A_285 = arith.constant 0 : index
    %get3A_286 = vector.load %arg10[%get3A_284, %get3A_285] : memref<2080x192xbf16, #tpu.memory_space<vmem>>, vector<260x192xbf16>
    %dot_general3A_287 = arith.constant dense<0.000000e+00> : vector<512x192xf32>
    %dot_general3A_288 = tpu.matmul %convert_element_type3A_283, %get3A_286, %dot_general3A_287 {dimension_numbers = #tpu.dot_dimension_numbers<[1], [0], [0], [1], [0, 0, 1, 1], [], []>, transpose_lhs_hint = false} : vector<512x260xbf16>, vector<260x192xbf16>, vector<512x192xf32> -> vector<512x192xf32>
    %iota3A_289 = tpu.iota {dimensions = array<i32: 1>} : vector<512x260xi32>
    %get3A_290 = arith.constant 0 : index
    %get3A_291 = arith.constant 2 : index
    %get3A_292 = vector.load %arg7[%get3A_290, %get3A_291] : memref<512x8xi32, #tpu.memory_space<vmem>>, vector<512x1xi32>
    %broadcast_in_dim3A_293 = vector.shape_cast %get3A_292 : vector<512x1xi32> to vector<512x1xi32>
    %broadcast_in_dim3A_294 = vector.broadcast %broadcast_in_dim3A_293 : vector<512x1xi32> to vector<512x260xi32>
    %eq3A_295 = arith.cmpi eq, %iota3A_289, %broadcast_in_dim3A_294 : vector<512x260xi32>
    %convert_element_type3A_296 = arith.extui %eq3A_295 : vector<512x260xi1> to vector<512x260xi32>
    %convert_element_type3A_297 = arith.sitofp %convert_element_type3A_296 : vector<512x260xi32> to vector<512x260xf32>
    %convert_element_type3A_298 = arith.truncf %convert_element_type3A_297 : vector<512x260xf32> to vector<512x260xbf16>
    %get3A_299 = arith.constant 520 : index
    %get3A_300 = arith.constant 0 : index
    %get3A_301 = vector.load %arg10[%get3A_299, %get3A_300] : memref<2080x192xbf16, #tpu.memory_space<vmem>>, vector<260x192xbf16>
    %dot_general3A_302 = arith.constant dense<0.000000e+00> : vector<512x192xf32>
    %dot_general3A_303 = tpu.matmul %convert_element_type3A_298, %get3A_301, %dot_general3A_302 {dimension_numbers = #tpu.dot_dimension_numbers<[1], [0], [0], [1], [0, 0, 1, 1], [], []>, transpose_lhs_hint = false} : vector<512x260xbf16>, vector<260x192xbf16>, vector<512x192xf32> -> vector<512x192xf32>
    %iota3A_304 = tpu.iota {dimensions = array<i32: 1>} : vector<512x260xi32>
    %get3A_305 = arith.constant 0 : index
    %get3A_306 = arith.constant 3 : index
    %get3A_307 = vector.load %arg7[%get3A_305, %get3A_306] : memref<512x8xi32, #tpu.memory_space<vmem>>, vector<512x1xi32>
    %broadcast_in_dim3A_308 = vector.shape_cast %get3A_307 : vector<512x1xi32> to vector<512x1xi32>
    %broadcast_in_dim3A_309 = vector.broadcast %broadcast_in_dim3A_308 : vector<512x1xi32> to vector<512x260xi32>
    %eq3A_310 = arith.cmpi eq, %iota3A_304, %broadcast_in_dim3A_309 : vector<512x260xi32>
    %convert_element_type3A_311 = arith.extui %eq3A_310 : vector<512x260xi1> to vector<512x260xi32>
    %convert_element_type3A_312 = arith.sitofp %convert_element_type3A_311 : vector<512x260xi32> to vector<512x260xf32>
    %convert_element_type3A_313 = arith.truncf %convert_element_type3A_312 : vector<512x260xf32> to vector<512x260xbf16>
    %get3A_314 = arith.constant 780 : index
    %get3A_315 = arith.constant 0 : index
    %get3A_316 = vector.load %arg10[%get3A_314, %get3A_315] : memref<2080x192xbf16, #tpu.memory_space<vmem>>, vector<260x192xbf16>
    %dot_general3A_317 = arith.constant dense<0.000000e+00> : vector<512x192xf32>
    %dot_general3A_318 = tpu.matmul %convert_element_type3A_313, %get3A_316, %dot_general3A_317 {dimension_numbers = #tpu.dot_dimension_numbers<[1], [0], [0], [1], [0, 0, 1, 1], [], []>, transpose_lhs_hint = false} : vector<512x260xbf16>, vector<260x192xbf16>, vector<512x192xf32> -> vector<512x192xf32>
    %iota3A_319 = tpu.iota {dimensions = array<i32: 1>} : vector<512x260xi32>
    %get3A_320 = arith.constant 0 : index
    %get3A_321 = arith.constant 4 : index
    %get3A_322 = vector.load %arg7[%get3A_320, %get3A_321] : memref<512x8xi32, #tpu.memory_space<vmem>>, vector<512x1xi32>
    %broadcast_in_dim3A_323 = vector.shape_cast %get3A_322 : vector<512x1xi32> to vector<512x1xi32>
    %broadcast_in_dim3A_324 = vector.broadcast %broadcast_in_dim3A_323 : vector<512x1xi32> to vector<512x260xi32>
    %eq3A_325 = arith.cmpi eq, %iota3A_319, %broadcast_in_dim3A_324 : vector<512x260xi32>
    %convert_element_type3A_326 = arith.extui %eq3A_325 : vector<512x260xi1> to vector<512x260xi32>
    %convert_element_type3A_327 = arith.sitofp %convert_element_type3A_326 : vector<512x260xi32> to vector<512x260xf32>
    %convert_element_type3A_328 = arith.truncf %convert_element_type3A_327 : vector<512x260xf32> to vector<512x260xbf16>
    %get3A_329 = arith.constant 1040 : index
    %get3A_330 = arith.constant 0 : index
    %get3A_331 = vector.load %arg10[%get3A_329, %get3A_330] : memref<2080x192xbf16, #tpu.memory_space<vmem>>, vector<260x192xbf16>
    %dot_general3A_332 = arith.constant dense<0.000000e+00> : vector<512x192xf32>
    %dot_general3A_333 = tpu.matmul %convert_element_type3A_328, %get3A_331, %dot_general3A_332 {dimension_numbers = #tpu.dot_dimension_numbers<[1], [0], [0], [1], [0, 0, 1, 1], [], []>, transpose_lhs_hint = false} : vector<512x260xbf16>, vector<260x192xbf16>, vector<512x192xf32> -> vector<512x192xf32>
    %iota3A_334 = tpu.iota {dimensions = array<i32: 1>} : vector<512x260xi32>
    %get3A_335 = arith.constant 0 : index
    %get3A_336 = arith.constant 5 : index
    %get3A_337 = vector.load %arg7[%get3A_335, %get3A_336] : memref<512x8xi32, #tpu.memory_space<vmem>>, vector<512x1xi32>
    %broadcast_in_dim3A_338 = vector.shape_cast %get3A_337 : vector<512x1xi32> to vector<512x1xi32>
    %broadcast_in_dim3A_339 = vector.broadcast %broadcast_in_dim3A_338 : vector<512x1xi32> to vector<512x260xi32>
    %eq3A_340 = arith.cmpi eq, %iota3A_334, %broadcast_in_dim3A_339 : vector<512x260xi32>
    %convert_element_type3A_341 = arith.extui %eq3A_340 : vector<512x260xi1> to vector<512x260xi32>
    %convert_element_type3A_342 = arith.sitofp %convert_element_type3A_341 : vector<512x260xi32> to vector<512x260xf32>
    %convert_element_type3A_343 = arith.truncf %convert_element_type3A_342 : vector<512x260xf32> to vector<512x260xbf16>
    %get3A_344 = arith.constant 1300 : index
    %get3A_345 = arith.constant 0 : index
    %get3A_346 = vector.load %arg10[%get3A_344, %get3A_345] : memref<2080x192xbf16, #tpu.memory_space<vmem>>, vector<260x192xbf16>
    %dot_general3A_347 = arith.constant dense<0.000000e+00> : vector<512x192xf32>
    %dot_general3A_348 = tpu.matmul %convert_element_type3A_343, %get3A_346, %dot_general3A_347 {dimension_numbers = #tpu.dot_dimension_numbers<[1], [0], [0], [1], [0, 0, 1, 1], [], []>, transpose_lhs_hint = false} : vector<512x260xbf16>, vector<260x192xbf16>, vector<512x192xf32> -> vector<512x192xf32>
    %iota3A_349 = tpu.iota {dimensions = array<i32: 1>} : vector<512x260xi32>
    %get3A_350 = arith.constant 0 : index
    %get3A_351 = arith.constant 6 : index
    %get3A_352 = vector.load %arg7[%get3A_350, %get3A_351] : memref<512x8xi32, #tpu.memory_space<vmem>>, vector<512x1xi32>
    %broadcast_in_dim3A_353 = vector.shape_cast %get3A_352 : vector<512x1xi32> to vector<512x1xi32>
    %broadcast_in_dim3A_354 = vector.broadcast %broadcast_in_dim3A_353 : vector<512x1xi32> to vector<512x260xi32>
    %eq3A_355 = arith.cmpi eq, %iota3A_349, %broadcast_in_dim3A_354 : vector<512x260xi32>
    %convert_element_type3A_356 = arith.extui %eq3A_355 : vector<512x260xi1> to vector<512x260xi32>
    %convert_element_type3A_357 = arith.sitofp %convert_element_type3A_356 : vector<512x260xi32> to vector<512x260xf32>
    %convert_element_type3A_358 = arith.truncf %convert_element_type3A_357 : vector<512x260xf32> to vector<512x260xbf16>
    %get3A_359 = arith.constant 1560 : index
    %get3A_360 = arith.constant 0 : index
    %get3A_361 = vector.load %arg10[%get3A_359, %get3A_360] : memref<2080x192xbf16, #tpu.memory_space<vmem>>, vector<260x192xbf16>
    %dot_general3A_362 = arith.constant dense<0.000000e+00> : vector<512x192xf32>
    %dot_general3A_363 = tpu.matmul %convert_element_type3A_358, %get3A_361, %dot_general3A_362 {dimension_numbers = #tpu.dot_dimension_numbers<[1], [0], [0], [1], [0, 0, 1, 1], [], []>, transpose_lhs_hint = false} : vector<512x260xbf16>, vector<260x192xbf16>, vector<512x192xf32> -> vector<512x192xf32>
    %iota3A_364 = tpu.iota {dimensions = array<i32: 1>} : vector<512x260xi32>
    %get3A_365 = arith.constant 0 : index
    %get3A_366 = arith.constant 7 : index
    %get3A_367 = vector.load %arg7[%get3A_365, %get3A_366] : memref<512x8xi32, #tpu.memory_space<vmem>>, vector<512x1xi32>
    %broadcast_in_dim3A_368 = vector.shape_cast %get3A_367 : vector<512x1xi32> to vector<512x1xi32>
    %broadcast_in_dim3A_369 = vector.broadcast %broadcast_in_dim3A_368 : vector<512x1xi32> to vector<512x260xi32>
    %eq3A_370 = arith.cmpi eq, %iota3A_364, %broadcast_in_dim3A_369 : vector<512x260xi32>
    %convert_element_type3A_371 = arith.extui %eq3A_370 : vector<512x260xi1> to vector<512x260xi32>
    %convert_element_type3A_372 = arith.sitofp %convert_element_type3A_371 : vector<512x260xi32> to vector<512x260xf32>
    %convert_element_type3A_373 = arith.truncf %convert_element_type3A_372 : vector<512x260xf32> to vector<512x260xbf16>
    %get3A_374 = arith.constant 1820 : index
    %get3A_375 = arith.constant 0 : index
    %get3A_376 = vector.load %arg10[%get3A_374, %get3A_375] : memref<2080x192xbf16, #tpu.memory_space<vmem>>, vector<260x192xbf16>
    %dot_general3A_377 = arith.constant dense<0.000000e+00> : vector<512x192xf32>
    %dot_general3A_378 = tpu.matmul %convert_element_type3A_373, %get3A_376, %dot_general3A_377 {dimension_numbers = #tpu.dot_dimension_numbers<[1], [0], [0], [1], [0, 0, 1, 1], [], []>, transpose_lhs_hint = false} : vector<512x260xbf16>, vector<260x192xbf16>, vector<512x192xf32> -> vector<512x192xf32>
    %concatenate3A = tpu.concatenate %dot_general3A_273, %dot_general3A_288, %dot_general3A_303, %dot_general3A_318, %dot_general3A_333, %dot_general3A_348, %dot_general3A_363, %dot_general3A_378 in 1 : vector<512x192xf32>, vector<512x192xf32>, vector<512x192xf32>, vector<512x192xf32>, vector<512x192xf32>, vector<512x192xf32>, vector<512x192xf32>, vector<512x192xf32> -> vector<512x1536xf32>
    %add3A_379 = arith.addf %add3A_258, %concatenate3A : vector<512x1536xf32>
    %get3A_380 = arith.constant 0 : index
    %get3A_381 = arith.constant 0 : index
    %get3A_382 = vector.load %arg12[%get3A_380, %get3A_381] : memref<1x1536xf32, #tpu.memory_space<vmem>>, vector<1x1536xf32>
    %add3A_383 = vector.broadcast %get3A_382 : vector<1x1536xf32> to vector<512x1536xf32>
    %add3A_384 = arith.addf %add3A_379, %add3A_383 : vector<512x1536xf32>
    %swap3A = arith.constant 0 : index
    %swap3A_385 = arith.constant 0 : index
    %swap3A_386 = vector.load %arg13[%swap3A, %swap3A_385] : memref<512x1536xf32, #tpu.memory_space<vmem>>, vector<512x1536xf32>
    tpu.vector_store %arg13[%swap3A, %swap3A_385], %add3A_384 {strides = array<i32>} : memref<512x1536xf32, #tpu.memory_space<vmem>>, vector<512x1536xf32>,
    return
  }
  func.func @transform_0(%arg0: i32) -> (i32, i32) {
    %c0_i32 = arith.constant 0 : i32
    %c0_i32_0 = arith.constant 0 : i32
    return %arg0, %c0_i32 : i32, i32
  }
  func.func @transform_1(%arg0: i32) -> (i32, i32) {
    %c0_i32 = arith.constant 0 : i32
    %c0_i32_0 = arith.constant 0 : i32
    return %arg0, %c0_i32 : i32, i32
  }
  func.func @transform_2(%arg0: i32) -> (i32, i32) {
    %c0_i32 = arith.constant 0 : i32
    %c0_i32_0 = arith.constant 0 : i32
    return %arg0, %c0_i32 : i32, i32
  }
  func.func @transform_3(%arg0: i32) -> (i32, i32) {
    %c0_i32 = arith.constant 0 : i32
    %c0_i32_0 = arith.constant 0 : i32
    return %arg0, %c0_i32 : i32, i32
  }
  func.func @transform_4(%arg0: i32) -> (i32, i32) {
    %c0_i32 = arith.constant 0 : i32
    %c0_i32_0 = arith.constant 0 : i32
    return %arg0, %c0_i32 : i32, i32
  }
  func.func @transform_5(%arg0: i32) -> (i32, i32) {
    %c0_i32 = arith.constant 0 : i32
    %c0_i32_0 = arith.constant 0 : i32
    return %arg0, %c0_i32 : i32, i32
  }
  func.func @transform_6(%arg0: i32) -> (i32, i32) {
    %c0_i32 = arith.constant 0 : i32
    %c0_i32_0 = arith.constant 0 : i32
    return %arg0, %c0_i32 : i32, i32
  }
  func.func @transform_7(%arg0: i32) -> (i32, i32) {
    %c0_i32 = arith.constant 0 : i32
    %c0_i32_0 = arith.constant 0 : i32
    return %arg0, %c0_i32 : i32, i32
  }
  func.func @transform_8(%arg0: i32) -> (i32, i32) {
    %c0_i32 = arith.constant 0 : i32
    %c0_i32_0 = arith.constant 0 : i32
    %c0_i32_1 = arith.constant 0 : i32
    return %c0_i32, %c0_i32_0 : i32, i32
  }
  func.func @transform_9(%arg0: i32) -> (i32, i32) {
    %c0_i32 = arith.constant 0 : i32
    %c0_i32_0 = arith.constant 0 : i32
    %c0_i32_1 = arith.constant 0 : i32
    return %c0_i32, %c0_i32_0 : i32, i32
  }
  func.func @transform_10(%arg0: i32) -> (i32, i32) {
    %c0_i32 = arith.constant 0 : i32
    %c0_i32_0 = arith.constant 0 : i32
    %c0_i32_1 = arith.constant 0 : i32
    return %c0_i32, %c0_i32_0 : i32, i32
  }
  func.func @transform_11(%arg0: i32) -> (i32, i32) {
    %c0_i32 = arith.constant 0 : i32
    %c0_i32_0 = arith.constant 0 : i32
    %c0_i32_1 = arith.constant 0 : i32
    return %c0_i32, %c0_i32_0 : i32, i32
  }
  func.func @transform_12(%arg0: i32) -> (i32, i32) {
    %c0_i32 = arith.constant 0 : i32
    %c0_i32_0 = arith.constant 0 : i32
    return %arg0, %c0_i32 : i32, i32
  }
}

</mosaic_0001>

<sc_bundles>
// kernel: kernel.4.cloned.1.call-start
scs
__scs_entry_jumppad:
0x0: {  	(pc) =	sbr.rel $0x88, $3  }
0x1: {  	(tag) =	ssettag $0x0;
	lr =	simm.s32 $0x1  }
0x2: {  	[smem:$0x3F8F] =	sst lr;
	_ =	strace $0xD0000000  }
0x3: {  	_ = 	snop  }
0x4: {  	_ = 	snop  }
0x5: {  	_ = 	snop  }
0x6: {  	_ = 	snop  }
0x7: {  	_ = 	snop  }
__scs_overlays_trampoline_lowered:
0x8: {  	[smem:$0x3F9E] =	sst s0  }
0x9: {  	[smem:$0x3F9F] =	sst s1  }
0xa: {  	[smem:$0x3FA0] =	sst s2  }
0xb: {  	[smem:$0x3FA1] =	sst s3  }
0xc: {  	[smem:$0x3FA2] =	sst s4  }
0xd: {  	[smem:$0x3FA3] =	sst s5  }
0xe: {  	[smem:$0x3FA4] =	sst s6  }
0xf: {  	[smem:$0x3FA5] =	sst s7  }
0x10: {  	[smem:$0x3FA6] =	sst s8  }
0x11: {  	[smem:$0x3FA7] =	sst s9;
	s0 =	simm.s32 @!p0 $0x0  }
0x12: {  	s1 =	sld [smem:$0x3F8D];
	s0 =	simm.s32 @p0 $0x1  }
0x13: {  	[smem:$0x3FA8] =	sst s0;
	s0 =	simm.s32 @!p1 $0x0  }
0x14: {  	s2 =	sld [smem:$0x3F8C];
	s0 =	simm.s32 @p1 $0x1  }
0x15: {  	[smem:$0x3FA9] =	sst s0;
	s0 =	simm.s32 @!p2 $0x0  }
0x16: {  	s3 =	sld [smem:$0x3FDB];
	s0 =	simm.s32 @p2 $0x1  }
0x17: {  	s4 =	simm.s32 $0x1BF5;
	[smem:$0x3FAB] =	sst s0  }
0x18: {  	s0 =	sld [smem:$0x3F8E];
	_ =	swait.ge [sflag:s4], $0x0  }
0x19: {  	s7 =	sld [smem:$0x3F8F]  }
0x1a: {  	s8 =	sadd.s32 $0xFFFFE003, lr  }
0x1b: {  	s9 =	sadd.s32 $0xFFFFFEF7, lr;
	s5 =	simm.s32 $0xFFFFFFFF;
	p2 =	slt.u32 s8, $0xFFFFF086  }
0x1c: {  	p1 =	slt.u32 s9, $0xF7A;
	s5 =	simm.s32 @!p2 $0x0  }
0x1d: {  	s5 =	simm.s32 @p1 $0x1;
	p0 =	seq.s32 s7, s2  }
0x1e: {  	s7 =	smul.u32 @!p0 $0xF7A, s2;
	p2 =	seq.s32 @!p0 s5, $0x0  }
0x1f: {  	s9 =	smul.u32 $0xF7A, s1;
	s8 =	simm.s32 @!p0 $0x1BF5;
	p2 =	por !p2, p0  }
0x20: {  	[sflag:s8] =	ssyncset.s32 @!p0 $0xFFFFF086;
	s6 =	sadd.s32 @!p0 s3, s7;
	s7 =	simm.s32 @!p0 $0x108  }
0x21: {  	s3 =	sadd.s32 s3, s9;
	s6 =	sadd.s32 @!p0 $0x88, s6;
	s7 =	simm.s32 @p2 $0x1082  }
0x22: {  	[simem:s7], [sflag:s8] =	dma.local @!p0 [hbm:s6], $0xF7A  }
0x23: {  	s9 =	sor.u32 $0xD0000000, s2;
	s6 =	simm.s32 $0x108;
	_ =	swait.ge @!p0 [sflag:s8], $0x0  }
0x24: {  	s3 =	sadd.s32 $0x88, s3;
	s6 =	simm.s32 @!p1 $0x1082;
	[sflag:s4] =	ssyncset.s32 $0xFFFFF086  }
0x25: {  	[simem:s6], [sflag:s4] =	dma.local [hbm:s3], $0xF7A  }
0x26: {  	[smem:$0x3F8F] =	sst s1;
	(tag) =	ssettag s2;
	_ =	strace s9  }
0x27: {  	s1 =	sld [smem:$0x3F9F]  }
0x28: {  	s2 =	sld [smem:$0x3FA0]  }
0x29: {  	s4 =	sld [smem:$0x3FA2]  }
0x2a: {  	p0 =	seq.s32 s5, $0x0;
	s5 =	sld [smem:$0x3FA3]  }
0x2b: {  	s6 =	sld [smem:$0x3FA4]  }
0x2c: {  	s7 =	sld [smem:$0x3FA5]  }
0x2d: {  	s3 =	simm.s32 $0x108;
	s8 =	sld [smem:$0x3FA6]  }
0x2e: {  	s3 =	simm.s32 @!p0 $0x1082;
	s9 =	sld [smem:$0x3FA7]  }
0x2f: {  	lr =	sadd.s32 s0, s3;
	s0 =	sld [smem:$0x3F9E]  }
0x30: {  	s3 =	sld [smem:$0x3FA1]  }
0x31: {  	[smem:$0x3FAA] =	sst s10  }
0x32: {  	s10 =	sld [smem:$0x3FA8];
	_ =	sdelay $0x3  }
0x33: {  	p0 =	seq.s32 s10, $0x1;
	s10 =	sld [smem:$0x3FAA];
	_ =	sdelay $0x3  }
0x34: {  	[smem:$0x3FAA] =	sst s10  }
0x35: {  	s10 =	sld [smem:$0x3FA9];
	_ =	sdelay $0x3  }
0x36: {  	p1 =	seq.s32 s10, $0x1;
	s10 =	sld [smem:$0x3FAA];
	_ =	sdelay $0x3  }
0x37: {  	[smem:$0x3FAA] =	sst s10  }
0x38: {  	s10 =	sld [smem:$0x3FAB]  }
0x39: {  	_ = 	snop;
	(pc) =	sbr.ind lr, $3  }
0x3a: {  	_ = 	snop  }
0x3b: {  	_ = 	snop  }
0x3c: {  	p2 =	seq.s32 s10, $0x1;
	s10 =	sld [smem:$0x3FAA]  }
0x3d: {  	_ =	shalt  }
0x3e: {  	_ =	shalt  }
0x3f: {  	_ =	shalt  }
0x40: {  	_ =	shalt  }
0x41: {  	_ =	shalt  }
0x42: {  	_ =	shalt  }
0x43: {  	_ =	shalt  }
0x44: {  	_ =	shalt  }
0x45: {  	_ =	shalt  }
0x46: {  	_ =	shalt  }
0x47: {  	_ =	shalt  }
0x48: {  	_ =	shalt  }
0x49: {  	_ =	shalt  }
0x4a: {  	_ =	shalt  }
0x4b: {  	_ =	shalt  }
0x4c: {  	_ =	shalt  }
0x4d: {  	_ =	shalt  }
0x4e: {  	_ =	shalt  }
0x4f: {  	_ =	shalt  }
0x50: {  	_ =	shalt  }
0x51: {  	_ =	shalt  }
0x52: {  	_ =	shalt  }
0x53: {  	_ =	shalt  }
0x54: {  	_ =	shalt  }
0x55: {  	_ =	shalt  }
0x56: {  	_ =	shalt  }
0x57: {  	_ =	shalt  }
0x58: {  	_ =	shalt  }
0x59: {  	_ =	shalt  }
0x5a: {  	_ =	shalt  }
0x5b: {  	_ =	shalt  }
0x5c: {  	_ =	shalt  }
0x5d: {  	_ =	shalt  }
0x5e: {  	_ =	shalt  }
0x5f: {  	_ =	shalt  }
0x60: {  	_ =	shalt  }
0x61: {  	_ =	shalt  }
0x62: {  	_ =	shalt  }
0x63: {  	_ =	shalt  }
0x64: {  	_ =	shalt  }
0x65: {  	_ =	shalt  }
0x66: {  	_ =	shalt  }
0x67: {  	_ =	shalt  }
0x68: {  	_ =	shalt  }
0x69: {  	_ =	shalt  }
0x6a: {  	_ =	shalt  }
0x6b: {  	_ =	shalt  }
0x6c: {  	_ =	shalt  }
0x6d: {  	_ =	shalt  }
0x6e: {  	_ =	shalt  }
0x6f: {  	_ =	shalt  }
0x70: {  	_ =	shalt  }
0x71: {  	_ =	shalt  }
0x72: {  	_ =	shalt  }
0x73: {  	_ =	shalt  }
0x74: {  	_ =	shalt  }
0x75: {  	_ =	shalt  }
0x76: {  	_ =	shalt  }
0x77: {  	_ =	shalt  }
0x78: {  	_ =	shalt  }
0x79: {  	_ =	shalt  }
0x7a: {  	_ =	shalt  }
0x7b: {  	_ =	shalt  }
0x7c: {  	_ =	shalt  }
0x7d: {  	_ =	shalt  }
0x7e: {  	_ =	shalt  }
0x7f: {  	_ =	shalt  }
0x80: {  	_ =	shalt  }
0x81: {  	_ =	shalt  }
0x82: {  	_ =	shalt  }
0x83: {  	_ =	shalt  }
0x84: {  	_ =	shalt  }
0x85: {  	_ =	shalt  }
0x86: {  	_ =	shalt  }
0x87: {  	_ =	shalt  }
.Lfunc_end0:
.L_simem_size_0:
called_computation_lowered:
.L_overlay_start_0:
0x88: {  	s2 =	sld [smem:$0x3FD9]  }
0x89: {  	s3 =	sld [smem:$0x3FFE];
	_ =	sdelay $0x1  }
0x8a: {  	s1 =	srdreg.scid  }
0x8b: {  	s0 =	sand.u32 $0x1, s1  }
0x8c: {  	s17 =	sshll.u32 s0, $0xA;
	s2 =	sadd.s32 s3, s2  }
0x8d: {  	s2 =	sadd.s32 s2, s17  }
0x8e: {  	[smem:$0x3FB6] =	sst s2  }
0x8f: {  	_ = 	snop  }
0x90: {  	s2 =	sld [smem:$0x3FC0]  }
0x91: {  	s18 =	sld [smem:$0x3FD0];
	(tm) =	ssettm $0x1  }
0x92: {  	s4 =	sld [smem:$0x3FFB];
	_ =	sdelay $0x3  }
0x93: {  	_ =	strace s4  }
0x94: {  	s4 =	sld [smem:$0x3FFC];
	_ =	sdelay $0x3  }
0x95: {  	_ =	strace s4  }
0x96: {  	s4 =	sld [smem:$0x3FFD];
	_ =	sdelay $0x3  }
0x97: {  	_ =	strace s4  }
0x98: {  	_ =	strace $0x8FFFFFFF  }
0x99: {  	s19 =	sld [smem:$0x3FDB];
	_ =	sdelay $0x1  }
0x9a: {  	s5 =	simm.s32 $_scs_section_size  }
0x9b: {  	s6 =	simm.s32 $_size__tile_overlayer_lowered;
	s7 =	simm.s32 $_tile_overlayer_lowered  }
0x9c: {  	s22 =	simm.s32 $0x1BFF;
	s21 =	sshll.u32 s7, $0x1;
	s4 =	sadd.s32 s5, s19  }
0x9d: {  	s8 =	simm.s32 $0x0;
	s20 =	sshll.u32 s6, $0x1;
	s6 =	sadd.s32 s21, s4  }
0x9e: {  	[timem:s8], [sflag:s22] =	dma.local [hbm:s6], s20  }
0x9f: {  	_ =	swait.ge [sflag:s22], s20  }
0xa0: {  	s5 =	ssub.s32 $0x0, s20;
	[sflag:s22] =	ssyncset.done $0x0  }
0xa1: {  	[sflag:s22] =	ssyncadd.s32 s5;
	_ =	sdelay $0x1  }
0xa2: {  	s23 =	simm.s32 $0x1B8B  }
0xa3: {  	_ =	swait.ge [sflag:s23], $0x1  }
0xa4: {  	[sflag:s23] =	ssyncset.done $0x0  }
0xa5: {  	s25 =	simm.s32 $0x1B8E;
	s24 =	sld [smem:$0x3FFE];
	[sflag:s23] =	ssyncadd.s32 $0xFFFFFFFF  }
0xa6: {  	s26 =	simm.s32 $execute0_lowered;
	[smem:$0x3FD2] =	sst s25  }
0xa7: {  	s6 =	sshll.u32 s26, $0x1;
	_ =	strace $0x80000046;
	[dreg:$0x1] =	wrdreg $0xFFFFFFFF  }
0xa8: {  	s28 =	simm.s32 $_size_execute0_lowered;
	s4 =	sadd.s32 s4, s6;
	[dreg:$0x0] =	wrdreg $0x0  }
0xa9: {  	s6 =	sshll.u32 s28, $0x1;
	[dreg:$0x2] =	wrdreg s4  }
0xaa: {  	[dreg:$0x3] =	wrdreg s6  }
0xab: {  	[dreg:$0x4] =	wrdreg $0xC0  }
0xac: {  	_ =	task [dreg:s8], $0x5FFFF  }
0xad: {  	[dreg:$0x1] =	wrdreg $0xFFFFFFFF  }
0xae: {  	[dreg:$0x0] =	wrdreg $0x60  }
0xaf: {  	[dreg:$0x2] =	wrdreg s2  }
0xb0: {  	[dreg:$0x3] =	wrdreg s18  }
0xb1: {  	[dreg:$0x4] =	wrdreg s24  }
0xb2: {  	[dreg:$0x5] =	wrdreg $0x9  }
0xb3: {  	_ =	task.clear_ibuf [dreg:s8], $0x6FFFF;
	_ =	strace $0x90000046  }
0xb4: {  	s29 =	simm.s32 $0x9;
	_ =	strace $0x80000048  }
0xb5: {  	_ =	swait.ge [sflag:s29], $0x1  }
0xb6: {  	[sflag:s29] =	ssyncadd.s32 $0xFFFFFFFF  }
0xb7: {  	_ =	strace $0x90000048  }
0xb8: {  	_ =	sfence  }
0xb9: {  	s30 =	sld [smem:$0x0];
	_ =	sdelay $0x2  }
0xba: {  	s31 =	sshll.u32 s1, $0xD;
	s1 =	sshrl.u32 s1, $0x2  }
0xbb: {  	s3 =	sand.u32 $0x4000, s31;
	s1 =	sadd.s32 s1, s30  }
0xbc: {  	s0 =	sor.u32 s3, s0;
	s1 =	sshll.u32 s1, $0x11  }
0xbd: {  	s0 =	sor.u32 s1, s0  }
0xbe: {  	s0 =	sadd.s32 $0x8F2B, s0  }
0xbf: {  	[sflag:s0] =	ssyncadd.remote.s32 $0x1  }
0xc0: {  	_ =	sfence.sel $0xFFFF  }
0xc1: {  	[dreg:$0x0] =	wrdreg $0xFFFFFFFF;
	(pc) =	sbr.abs _section_cstart, $3  }
0xc2: {  	[dreg:$0x1] =	wrdreg $0xFFFFFFFF  }
0xc3: {  	_ =	task.clear_ibuf [dreg:s8], $0x2FFFF;
	_ =	strace $0x9FFFFFFF  }
0xc4: {  	(tm) =	ssettm $0x7FFFFFFF  }
0xc5: {  	_ =	shalt  }
tec
execute0_lowered:
.L_overlay_start_1:
0x0: {  	(tag) =	ssettag $0x1  }
0x1: {  	s1 =	rddreg [dreg:$0x0]  }
0x2: {  	s0 =	rddreg [dreg:$0x1]  }
0x3: {  	s2 =	rddreg [dreg:$0x2];
	s4 =	srdreg.scid  }
0x4: {  	s13 =	stileid.u32;
	s3 =	simm.s32 $0x0;
	s28 =	simm.s32 $0x18000  }
0x5: {  	s16 =	simm.s32 $0x5;
	s15 =	simm.s32 $0x4800;
	s17 =	simm.s32 $0x5000  }
0x6: {  	s20 =	simm.s32 $0x5800;
	s19 =	simm.s32 $0x6800;
	s29 =	simm.s32 $0x7000  }
0x7: {  	s30 =	simm.s32 $0x7800;
	s31 =	simm.s32 $0x8000;
	s18 =	simm.s32 $0x6  }
0x8: {  	s4 =	sand.u32 $0x1, s4;
	s5 =	sshll.u32 s13, $0x1;
	[smem:$0x7FF] =	sst s3  }
0x9: {  	s2 =	sadd.s32 $0x2E00, s2;
	s7 =	sadd.s32 $0x300, s1;
	s8 =	sadd.s32 $0x400, s1  }
0xa: {  	s23 =	sshll.u32 s13, $0x6;
	s13 =	smul.u32 $0x18000, s13;
	s6 =	ssub.s32 $0x2, s4  }
0xb: {  	s9 =	sor.u32 s4, s5;
	_ =	strace $0x80000047;
	s5 =	sadd.s32 $0x100, s1  }
0xc: {  	s24 =	sshll.u32 s4, $0x5;
	s4 =	smul.u32 $0xC000, s4;
	s21 =	sshrl.u32 s6, $0x1  }
0xd: {  	s10 =	sshll.u32 s9, $0x5;
	s12 =	smul.u32 $0xC000, s9;
	s9 =	sadd.s32 $0x500, s1  }
0xe: {  	s11 =	ssub.s32 s6, s21;
	s22 =	sadd.s32 s0, s10;
	s6 =	sadd.s32 $0x200, s1  }
0xf: {  	s10 =	sor.u32 $0x4, s10;
	s21 =	simm.s32 $0x6000;
	[dreg:$0x5] =	wrdreg s22  }
0x10: {  	s14 =	sadd.s32 s0, s10;
	s10 =	smul.u32 $0x600, s10;
	s12 =	sadd.s32 s2, s12  }
0x11: {  	s0 =	sadd.s32 s23, s0;
	s25 =	smax.u32 s11, $0x1;
	[dreg:$0x6] =	wrdreg s14  }
0x12: {  	s11 =	simm.s32 $0x2800;
	s22 =	simm.s32 $0x1;
	[dreg:$0x7] =	wrdreg s12  }
0x13: {  	s23 =	simm.s32 $0x2;
	s0 =	sadd.s32 s24, s0;
	[dreg:$0x9] =	wrdreg s25  }
0x14: {  	s12 =	simm.s32 $0x3000;
	s14 =	simm.s32 $0x4000;
	s24 =	simm.s32 $0x3  }
0x15: {  	s25 =	simm.s32 $0x4;
	s10 =	sadd.s32 s2, s10;
	s2 =	sadd.s32 s13, s2  }
0x16: {  	[dreg:$0x4] =	wrdreg s0;
	s13 =	simm.s32 $0x3800;
	s26 =	sadd.s32 s4, s2  }
0x17: {  	v2 =	vlaneseq.u32;
	[dreg:$0x8] =	wrdreg s10;
	s2 =	simm.s32 $0x1000;
	s0 =	sadd.s32 $0x4800, s26  }
0x18: {  	vm0 =	vmmov $0xffff;
	v1 =	vshrl.u32 v2, $0x3;
	s4 =	simm.s32 $0x1800;
	s26 =	simm.s32 $0x0;
	[dreg:$0xa] =	wrdreg s0  }
0x19: {  	v0 =	vand.u32 $0x7, v2;
	v2 =	vor.u32 $0x8, v2;
	v1 =	vmul.u32 $0x8, v1;
	s10 =	simm.s32 $0x2000;
	s0 =	simm.s32 $0x800;
	[dreg:$0xb] =	wrdreg s26  }
.LBB2_1:
0x1a: {  	s26 =	rddreg [dreg:$0x5]  }
0x1b: {  	[tilespmem:s28], [sflag:$0x5] =	stream.linear.gather [hbm4b:s26+s3], $0x20, $0x38;
	[tilespmem:$0x18100] =	vst v63  }
0x1c: {  	_ =	swait.ge [sflag:s16], $0x20  }
0x1d: {  	[sflag:s16] =	ssyncset.done $0x0  }
0x1e: {  	[sflag:s16] =	ssyncadd.s32 $0xFFFFFFE0  }
0x1f: {  	v3 =	vld [tilespmem:$0x18000];
	_ =	sdelay $0x4  }
0x20: {  	v4 =	vshrl.u32 v3, $0x3  }
0x21: {  	v4 =	vmul.u32 $0x60, v4  }
0x22: {  	v3 =	vand.u32 $0x7, v3  }
0x23: {  	v3 =	vor.u32 v3, v4  }
0x24: {  	v4 =	vperm.xlane v3, v0;
	_ =	sdelay $0x1  }
0x25: {  	v4 =	vadd.s32 v1, v4;
	_ =	sdelay $0x4  }
0x26: {  	[tilespmem:s3], [sflag:$0x1] =	stream.indirect_vreg.gather [hbm4b:s1+s3], $0x80, v4, vm0, $0xb8;
	[tilespmem:$0x18100] =	vst v63  }
0x27: {  	_ = 	snop  }
0x28: {  	[tilespmem:s0], [sflag:$0x1] =	stream.indirect_vreg.gather [hbm4b:s5+s3], $0x80, v4, vm0, $0xb8;
	[tilespmem:$0x18100] =	vst v63  }
0x29: {  	_ = 	snop  }
0x2a: {  	[tilespmem:s2], [sflag:$0x1] =	stream.indirect_vreg.gather [hbm4b:s6+s3], $0x80, v4, vm0, $0xb8;
	[tilespmem:$0x18100] =	vst v63  }
0x2b: {  	v3 =	vperm.xlane v3, v2  }
0x2c: {  	[tilespmem:s4], [sflag:$0x1] =	stream.indirect_vreg.gather [hbm4b:s7+s3], $0x80, v4, vm0, $0xb8;
	[tilespmem:$0x18100] =	vst v63  }
0x2d: {  	v3 =	vadd.s32 v1, v3  }
0x2e: {  	[tilespmem:s10], [sflag:$0x1] =	stream.indirect_vreg.gather [hbm4b:s8+s3], $0x80, v4, vm0, $0xb8;
	[tilespmem:$0x18100] =	vst v63  }
0x2f: {  	_ = 	snop  }
0x30: {  	[tilespmem:s11], [sflag:$0x1] =	stream.indirect_vreg.gather [hbm4b:s9+s3], $0x80, v4, vm0, $0xb8;
	[tilespmem:$0x18100] =	vst v63  }
0x31: {  	_ = 	snop  }
0x32: {  	[tilespmem:s12], [sflag:$0x1] =	stream.indirect_vreg.gather [hbm4b:s1+s3], $0x80, v3, vm0, $0xb8;
	[tilespmem:$0x18100] =	vst v63  }
0x33: {  	_ = 	snop  }
0x34: {  	[tilespmem:s13], [sflag:$0x1] =	stream.indirect_vreg.gather [hbm4b:s5+s3], $0x80, v3, vm0, $0xb8;
	[tilespmem:$0x18100] =	vst v63  }
0x35: {  	_ = 	snop  }
0x36: {  	[tilespmem:s14], [sflag:$0x1] =	stream.indirect_vreg.gather [hbm4b:s6+s3], $0x80, v3, vm0, $0xb8;
	[tilespmem:$0x18100] =	vst v63  }
0x37: {  	_ = 	snop  }
0x38: {  	[tilespmem:s15], [sflag:$0x1] =	stream.indirect_vreg.gather [hbm4b:s7+s3], $0x80, v3, vm0, $0xb8;
	[tilespmem:$0x18100] =	vst v63  }
0x39: {  	_ = 	snop  }
0x3a: {  	[tilespmem:s17], [sflag:$0x1] =	stream.indirect_vreg.gather [hbm4b:s8+s3], $0x80, v3, vm0, $0xb8;
	[tilespmem:$0x18100] =	vst v63  }
0x3b: {  	_ = 	snop  }
0x3c: {  	[tilespmem:s20], [sflag:$0x1] =	stream.indirect_vreg.gather [hbm4b:s9+s3], $0x80, v3, vm0, $0xb8;
	[tilespmem:$0x18100] =	vst v63  }
0x3d: {  	v3 =	vld [tilespmem:$0x18010];
	_ =	sdelay $0x4  }
0x3e: {  	v61 =	vshrl.u32 v3, $0x3  }
0x3f: {  	v4 =	vmul.u32 $0x60, v61  }
0x40: {  	v3 =	vand.u32 $0x7, v3  }
0x41: {  	v3 =	vor.u32 v3, v4  }
0x42: {  	v4 =	vperm.xlane v3, v0;
	_ =	sdelay $0x1  }
0x43: {  	v4 =	vadd.s32 v1, v4;
	_ =	sdelay $0x4  }
0x44: {  	[tilespmem:s21], [sflag:$0x1] =	stream.indirect_vreg.gather [hbm4b:s1+s3], $0x80, v4, vm0, $0xb8;
	[tilespmem:$0x18100] =	vst v63  }
0x45: {  	_ = 	snop  }
0x46: {  	[tilespmem:s19], [sflag:$0x1] =	stream.indirect_vreg.gather [hbm4b:s5+s3], $0x80, v4, vm0, $0xb8;
	[tilespmem:$0x18100] =	vst v63  }
0x47: {  	_ = 	snop  }
0x48: {  	[tilespmem:s29], [sflag:$0x1] =	stream.indirect_vreg.gather [hbm4b:s6+s3], $0x80, v4, vm0, $0xb8;
	[tilespmem:$0x18100] =	vst v63  }
0x49: {  	v3 =	vperm.xlane v3, v2  }
0x4a: {  	[tilespmem:s30], [sflag:$0x1] =	stream.indirect_vreg.gather [hbm4b:s7+s3], $0x80, v4, vm0, $0xb8;
	[tilespmem:$0x18100] =	vst v63  }
0x4b: {  	v3 =	vadd.s32 v1, v3  }
0x4c: {  	[tilespmem:s31], [sflag:$0x1] =	stream.indirect_vreg.gather [hbm4b:s8+s3], $0x80, v4, vm0, $0xb8;
	[tilespmem:$0x18100] =	vst v63  }
0x4d: {  	s20 =	simm.s32 $0x8800  }
0x4e: {  	[tilespmem:s20], [sflag:$0x1] =	stream.indirect_vreg.gather [hbm4b:s9+s3], $0x80, v4, vm0, $0xb8;
	[tilespmem:$0x18100] =	vst v63  }
0x4f: {  	s21 =	simm.s32 $0x9000  }
0x50: {  	[tilespmem:s21], [sflag:$0x1] =	stream.indirect_vreg.gather [hbm4b:s1+s3], $0x80, v3, vm0, $0xb8;
	[tilespmem:$0x18100] =	vst v63  }
0x51: {  	s26 =	simm.s32 $0x9800  }
0x52: {  	[tilespmem:s26], [sflag:$0x1] =	stream.indirect_vreg.gather [hbm4b:s5+s3], $0x80, v3, vm0, $0xb8;
	[tilespmem:$0x18100] =	vst v63  }
0x53: {  	s29 =	simm.s32 $0xA000  }
0x54: {  	[tilespmem:s29], [sflag:$0x1] =	stream.indirect_vreg.gather [hbm4b:s6+s3], $0x80, v3, vm0, $0xb8;
	[tilespmem:$0x18100] =	vst v63  }
0x55: {  	s30 =	simm.s32 $0xA800  }
0x56: {  	[tilespmem:s30], [sflag:$0x1] =	stream.indirect_vreg.gather [hbm4b:s7+s3], $0x80, v3, vm0, $0xb8;
	[tilespmem:$0x18100] =	vst v63  }
0x57: {  	s2 =	simm.s32 $0xB000  }
0x58: {  	[tilespmem:s2], [sflag:$0x1] =	stream.indirect_vreg.gather [hbm4b:s8+s3], $0x80, v3, vm0, $0xb8;
	[tilespmem:$0x18100] =	vst v63  }
0x59: {  	s4 =	simm.s32 $0xB800  }
0x5a: {  	[tilespmem:s4], [sflag:$0x1] =	stream.indirect_vreg.gather [hbm4b:s9+s3], $0x80, v3, vm0, $0xb8;
	[tilespmem:$0x18100] =	vst v63  }
0x5b: {  	s10 =	rddreg [dreg:$0x6];
	s11 =	simm.s32 $0x18080  }
0x5c: {  	[tilespmem:s11], [sflag:$0x6] =	stream.linear.gather [hbm4b:s10+s3], $0x20, $0x38;
	[tilespmem:$0x18100] =	vst v63  }
0x5d: {  	_ =	swait.ge [sflag:s18], $0x20  }
0x5e: {  	[sflag:s18] =	ssyncset.done $0x0  }
0x5f: {  	[sflag:s18] =	ssyncadd.s32 $0xFFFFFFE0  }
0x60: {  	v3 =	vld [tilespmem:$0x18080];
	_ =	sdelay $0x4  }
0x61: {  	v62 =	vshrl.u32 v3, $0x3  }
0x62: {  	v4 =	vmul.u32 $0x60, v62  }
0x63: {  	v3 =	vand.u32 $0x7, v3  }
0x64: {  	v3 =	vor.u32 v3, v4  }
0x65: {  	v4 =	vperm.xlane v3, v0;
	_ =	sdelay $0x1  }
0x66: {  	v4 =	vadd.s32 v1, v4;
	_ =	sdelay $0x3  }
0x67: {  	s4 =	simm.s32 $0xC000  }
0x68: {  	[tilespmem:s4], [sflag:$0x2] =	stream.indirect_vreg.gather [hbm4b:s1+s3], $0x80, v4, vm0, $0xb8;
	[tilespmem:$0x18100] =	vst v63  }
0x69: {  	s12 =	simm.s32 $0xC800  }
0x6a: {  	[tilespmem:s12], [sflag:$0x2] =	stream.indirect_vreg.gather [hbm4b:s5+s3], $0x80, v4, vm0, $0xb8;
	[tilespmem:$0x18100] =	vst v63  }
0x6b: {  	s13 =	simm.s32 $0xD000  }
0x6c: {  	[tilespmem:s13], [sflag:$0x2] =	stream.indirect_vreg.gather [hbm4b:s6+s3], $0x80, v4, vm0, $0xb8;
	[tilespmem:$0x18100] =	vst v63  }
0x6d: {  	s14 =	simm.s32 $0xD800;
	v3 =	vperm.xlane v3, v2  }
0x6e: {  	[tilespmem:s14], [sflag:$0x2] =	stream.indirect_vreg.gather [hbm4b:s7+s3], $0x80, v4, vm0, $0xb8;
	[tilespmem:$0x18100] =	vst v63  }
0x6f: {  	s15 =	simm.s32 $0xE000;
	v3 =	vadd.s32 v1, v3  }
0x70: {  	[tilespmem:s15], [sflag:$0x2] =	stream.indirect_vreg.gather [hbm4b:s8+s3], $0x80, v4, vm0, $0xb8;
	[tilespmem:$0x18100] =	vst v63  }
0x71: {  	s17 =	simm.s32 $0xE800  }
0x72: {  	[tilespmem:s17], [sflag:$0x2] =	stream.indirect_vreg.gather [hbm4b:s9+s3], $0x80, v4, vm0, $0xb8;
	[tilespmem:$0x18100] =	vst v63  }
0x73: {  	s19 =	simm.s32 $0xF000  }
0x74: {  	[tilespmem:s19], [sflag:$0x2] =	stream.indirect_vreg.gather [hbm4b:s1+s3], $0x80, v3, vm0, $0xb8;
	[tilespmem:$0x18100] =	vst v63  }
0x75: {  	s20 =	simm.s32 $0xF800  }
0x76: {  	[tilespmem:s20], [sflag:$0x2] =	stream.indirect_vreg.gather [hbm4b:s5+s3], $0x80, v3, vm0, $0xb8;
	[tilespmem:$0x18100] =	vst v63  }
0x77: {  	s21 =	simm.s32 $0x10000  }
0x78: {  	[tilespmem:s21], [sflag:$0x2] =	stream.indirect_vreg.gather [hbm4b:s6+s3], $0x80, v3, vm0, $0xb8;
	[tilespmem:$0x18100] =	vst v63  }
0x79: {  	s26 =	simm.s32 $0x10800  }
0x7a: {  	[tilespmem:s26], [sflag:$0x2] =	stream.indirect_vreg.gather [hbm4b:s7+s3], $0x80, v3, vm0, $0xb8;
	[tilespmem:$0x18100] =	vst v63  }
0x7b: {  	s29 =	simm.s32 $0x11000  }
0x7c: {  	[tilespmem:s29], [sflag:$0x2] =	stream.indirect_vreg.gather [hbm4b:s8+s3], $0x80, v3, vm0, $0xb8;
	[tilespmem:$0x18100] =	vst v63  }
0x7d: {  	s30 =	simm.s32 $0x11800  }
0x7e: {  	[tilespmem:s30], [sflag:$0x2] =	stream.indirect_vreg.gather [hbm4b:s9+s3], $0x80, v3, vm0, $0xb8;
	[tilespmem:$0x18100] =	vst v63  }
0x7f: {  	v3 =	vld [tilespmem:$0x18090];
	_ =	sdelay $0x4  }
0x80: {  	v63 =	vshrl.u32 v3, $0x3  }
0x81: {  	v4 =	vmul.u32 $0x60, v63  }
0x82: {  	v3 =	vand.u32 $0x7, v3  }
0x83: {  	v3 =	vor.u32 v3, v4  }
0x84: {  	v4 =	vperm.xlane v3, v0;
	_ =	sdelay $0x1  }
0x85: {  	v4 =	vadd.s32 v1, v4;
	_ =	sdelay $0x3  }
0x86: {  	s2 =	simm.s32 $0x12000  }
0x87: {  	[tilespmem:s2], [sflag:$0x2] =	stream.indirect_vreg.gather [hbm4b:s1+s3], $0x80, v4, vm0, $0xb8;
	[tilespmem:$0x18100] =	vst v63  }
0x88: {  	s10 =	simm.s32 $0x12800  }
0x89: {  	[tilespmem:s10], [sflag:$0x2] =	stream.indirect_vreg.gather [hbm4b:s5+s3], $0x80, v4, vm0, $0xb8;
	[tilespmem:$0x18100] =	vst v63  }
0x8a: {  	s11 =	simm.s32 $0x13000  }
0x8b: {  	[tilespmem:s11], [sflag:$0x2] =	stream.indirect_vreg.gather [hbm4b:s6+s3], $0x80, v4, vm0, $0xb8;
	[tilespmem:$0x18100] =	vst v63  }
0x8c: {  	s12 =	simm.s32 $0x13800;
	v3 =	vperm.xlane v3, v2  }
0x8d: {  	[tilespmem:s12], [sflag:$0x2] =	stream.indirect_vreg.gather [hbm4b:s7+s3], $0x80, v4, vm0, $0xb8;
	[tilespmem:$0x18100] =	vst v63  }
0x8e: {  	s13 =	simm.s32 $0x14000;
	v3 =	vadd.s32 v1, v3  }
0x8f: {  	[tilespmem:s13], [sflag:$0x2] =	stream.indirect_vreg.gather [hbm4b:s8+s3], $0x80, v4, vm0, $0xb8;
	[tilespmem:$0x18100] =	vst v63  }
0x90: {  	s14 =	simm.s32 $0x14800  }
0x91: {  	[tilespmem:s14], [sflag:$0x2] =	stream.indirect_vreg.gather [hbm4b:s9+s3], $0x80, v4, vm0, $0xb8;
	[tilespmem:$0x18100] =	vst v63  }
0x92: {  	s15 =	simm.s32 $0x15000  }
0x93: {  	[tilespmem:s15], [sflag:$0x2] =	stream.indirect_vreg.gather [hbm4b:s1+s3], $0x80, v3, vm0, $0xb8;
	[tilespmem:$0x18100] =	vst v63  }
0x94: {  	s17 =	simm.s32 $0x15800  }
0x95: {  	[tilespmem:s17], [sflag:$0x2] =	stream.indirect_vreg.gather [hbm4b:s5+s3], $0x80, v3, vm0, $0xb8;
	[tilespmem:$0x18100] =	vst v63  }
0x96: {  	s19 =	simm.s32 $0x16000  }
0x97: {  	[tilespmem:s19], [sflag:$0x2] =	stream.indirect_vreg.gather [hbm4b:s6+s3], $0x80, v3, vm0, $0xb8;
	[tilespmem:$0x18100] =	vst v63  }
0x98: {  	s20 =	simm.s32 $0x16800  }
0x99: {  	[tilespmem:s20], [sflag:$0x2] =	stream.indirect_vreg.gather [hbm4b:s7+s3], $0x80, v3, vm0, $0xb8;
	[tilespmem:$0x18100] =	vst v63  }
0x9a: {  	s28 =	simm.s32 $0x0;
	s0 =	simm.s32 $0x7800;
	s21 =	simm.s32 $0x17000  }
0x9b: {  	[tilespmem:s21], [sflag:$0x2] =	stream.indirect_vreg.gather [hbm4b:s8+s3], $0x80, v3, vm0, $0xb8;
	[tilespmem:$0x18100] =	vst v63  }
0x9c: {  	s31 =	simm.s32 $0x7000;
	s26 =	simm.s32 $0x17800;
	s2 =	simm.s32 $0x8000  }
0x9d: {  	[tilespmem:s26], [sflag:$0x2] =	stream.indirect_vreg.gather [hbm4b:s9+s3], $0x80, v3, vm0, $0xb8;
	[tilespmem:$0x18100] =	vst v63  }
0x9e: {  	s11 =	simm.s32 $0x2800;
	s12 =	simm.s32 $0x3000;
	_ =	swait.ge [sflag:s22], $0xC000  }
0x9f: {  	s13 =	simm.s32 $0x3800;
	s14 =	simm.s32 $0x4000;
	[sflag:s22] =	ssyncset.done $0x0  }
0xa0: {  	s15 =	simm.s32 $0x4800;
	s29 =	rddreg [dreg:$0x7];
	[sflag:s22] =	ssyncadd.s32 $0xFFFF4000  }
0xa1: {  	[hbm4b:s29+s3] =	stream.linear.scatter [tilespmem:s3], [sflag:$0x3], $0xC000, $0x38;
	[tilespmem:$0x18100] =	vst v63  }
0xa2: {  	s17 =	simm.s32 $0x5000;
	s19 =	simm.s32 $0x6800;
	_ =	swait.ge [sflag:s23], $0xC000  }
0xa3: {  	s20 =	simm.s32 $0x5800;
	[sflag:s23] =	ssyncset.done $0x0;
	s30 =	rddreg [dreg:$0x8]  }
0xa4: {  	s21 =	simm.s32 $0x6000;
	s26 =	rddreg [dreg:$0xa];
	[sflag:s23] =	ssyncadd.s32 $0xFFFF4000  }
0xa5: {  	[hbm4b:s30+s3] =	stream.linear.scatter [tilespmem:s4], [sflag:$0x4], $0xC000, $0x38;
	[tilespmem:$0x18100] =	vst v63  }
.LBB2_2:
0xa6: {  	_ =	swait.ge [sflag:s24], $0xC000  }
0xa7: {  	s29 =	rddreg [dreg:$0x4]  }
0xa8: {  	[sflag:s24] =	ssyncset.done $0x0;
	s29 =	sadd.s32 s28, s29  }
0xa9: {  	s10 =	simm.s32 $0x18000;
	[sflag:s24] =	ssyncadd.s32 $0xFFFF4000;
	s30 =	sadd.s32 $0x8, s29  }
0xaa: {  	[tilespmem:s10], [sflag:$0x5] =	stream.linear.gather [hbm4b:s30+s3], $0x20, $0x38;
	[tilespmem:$0x18100] =	vst v63  }
0xab: {  	_ =	swait.ge [sflag:s16], $0x20  }
0xac: {  	[sflag:s16] =	ssyncset.done $0x0  }
0xad: {  	[sflag:s16] =	ssyncadd.s32 $0xFFFFFFE0  }
0xae: {  	v3 =	vld [tilespmem:$0x18000];
	_ =	sdelay $0x4  }
0xaf: {  	v4 =	vshrl.u32 v3, $0x3  }
0xb0: {  	v4 =	vmul.u32 $0x60, v4  }
0xb1: {  	v3 =	vand.u32 $0x7, v3  }
0xb2: {  	v3 =	vor.u32 v3, v4  }
0xb3: {  	v4 =	vperm.xlane v3, v0;
	_ =	sdelay $0x1  }
0xb4: {  	v4 =	vadd.s32 v1, v4;
	_ =	sdelay $0x4  }
0xb5: {  	[tilespmem:s3], [sflag:$0x1] =	stream.indirect_vreg.gather [hbm4b:s1+s3], $0x80, v4, vm0, $0xb8;
	[tilespmem:$0x18100] =	vst v63  }
0xb6: {  	s30 =	simm.s32 $0x800  }
0xb7: {  	[tilespmem:s30], [sflag:$0x1] =	stream.indirect_vreg.gather [hbm4b:s5+s3], $0x80, v4, vm0, $0xb8;
	[tilespmem:$0x18100] =	vst v63  }
0xb8: {  	s30 =	simm.s32 $0x1000  }
0xb9: {  	[tilespmem:s30], [sflag:$0x1] =	stream.indirect_vreg.gather [hbm4b:s6+s3], $0x80, v4, vm0, $0xb8;
	[tilespmem:$0x18100] =	vst v63  }
0xba: {  	v3 =	vperm.xlane v3, v2;
	s30 =	simm.s32 $0x1800  }
0xbb: {  	[tilespmem:s30], [sflag:$0x1] =	stream.indirect_vreg.gather [hbm4b:s7+s3], $0x80, v4, vm0, $0xb8;
	[tilespmem:$0x18100] =	vst v63  }
0xbc: {  	v3 =	vadd.s32 v1, v3;
	s30 =	simm.s32 $0x2000  }
0xbd: {  	[tilespmem:s30], [sflag:$0x1] =	stream.indirect_vreg.gather [hbm4b:s8+s3], $0x80, v4, vm0, $0xb8;
	[tilespmem:$0x18100] =	vst v63  }
0xbe: {  	_ = 	snop  }
0xbf: {  	[tilespmem:s11], [sflag:$0x1] =	stream.indirect_vreg.gather [hbm4b:s9+s3], $0x80, v4, vm0, $0xb8;
	[tilespmem:$0x18100] =	vst v63  }
0xc0: {  	_ = 	snop  }
0xc1: {  	[tilespmem:s12], [sflag:$0x1] =	stream.indirect_vreg.gather [hbm4b:s1+s3], $0x80, v3, vm0, $0xb8;
	[tilespmem:$0x18100] =	vst v63  }
0xc2: {  	_ = 	snop  }
0xc3: {  	[tilespmem:s13], [sflag:$0x1] =	stream.indirect_vreg.gather [hbm4b:s5+s3], $0x80, v3, vm0, $0xb8;
	[tilespmem:$0x18100] =	vst v63  }
0xc4: {  	_ = 	snop  }
0xc5: {  	[tilespmem:s14], [sflag:$0x1] =	stream.indirect_vreg.gather [hbm4b:s6+s3], $0x80, v3, vm0, $0xb8;
	[tilespmem:$0x18100] =	vst v63  }
0xc6: {  	_ = 	snop  }
0xc7: {  	[tilespmem:s15], [sflag:$0x1] =	stream.indirect_vreg.gather [hbm4b:s7+s3], $0x80, v3, vm0, $0xb8;
	[tilespmem:$0x18100] =	vst v63  }
0xc8: {  	_ = 	snop  }
0xc9: {  	[tilespmem:s17], [sflag:$0x1] =	stream.indirect_vreg.gather [hbm4b:s8+s3], $0x80, v3, vm0, $0xb8;
	[tilespmem:$0x18100] =	vst v63  }
0xca: {  	_ = 	snop  }
0xcb: {  	[tilespmem:s20], [sflag:$0x1] =	stream.indirect_vreg.gather [hbm4b:s9+s3], $0x80, v3, vm0, $0xb8;
	[tilespmem:$0x18100] =	vst v63  }
0xcc: {  	v3 =	vld [tilespmem:$0x18010];
	_ =	sdelay $0x4  }
0xcd: {  	v61 =	vshrl.u32 v3, $0x3  }
0xce: {  	v4 =	vmul.u32 $0x60, v61  }
0xcf: {  	v3 =	vand.u32 $0x7, v3  }
0xd0: {  	v3 =	vor.u32 v3, v4  }
0xd1: {  	v4 =	vperm.xlane v3, v0;
	_ =	sdelay $0x1  }
0xd2: {  	v4 =	vadd.s32 v1, v4;
	_ =	sdelay $0x4  }
0xd3: {  	[tilespmem:s21], [sflag:$0x1] =	stream.indirect_vreg.gather [hbm4b:s1+s3], $0x80, v4, vm0, $0xb8;
	[tilespmem:$0x18100] =	vst v63  }
0xd4: {  	_ = 	snop  }
0xd5: {  	[tilespmem:s19], [sflag:$0x1] =	stream.indirect_vreg.gather [hbm4b:s5+s3], $0x80, v4, vm0, $0xb8;
	[tilespmem:$0x18100] =	vst v63  }
0xd6: {  	_ = 	snop  }
0xd7: {  	[tilespmem:s31], [sflag:$0x1] =	stream.indirect_vreg.gather [hbm4b:s6+s3], $0x80, v4, vm0, $0xb8;
	[tilespmem:$0x18100] =	vst v63  }
0xd8: {  	v3 =	vperm.xlane v3, v2  }
0xd9: {  	[tilespmem:s0], [sflag:$0x1] =	stream.indirect_vreg.gather [hbm4b:s7+s3], $0x80, v4, vm0, $0xb8;
	[tilespmem:$0x18100] =	vst v63  }
0xda: {  	v3 =	vadd.s32 v1, v3  }
0xdb: {  	[tilespmem:s2], [sflag:$0x1] =	stream.indirect_vreg.gather [hbm4b:s8+s3], $0x80, v4, vm0, $0xb8;
	[tilespmem:$0x18100] =	vst v63  }
0xdc: {  	s10 =	simm.s32 $0x8800  }
0xdd: {  	[tilespmem:s10], [sflag:$0x1] =	stream.indirect_vreg.gather [hbm4b:s9+s3], $0x80, v4, vm0, $0xb8;
	[tilespmem:$0x18100] =	vst v63  }
0xde: {  	s10 =	simm.s32 $0x9000  }
0xdf: {  	[tilespmem:s10], [sflag:$0x1] =	stream.indirect_vreg.gather [hbm4b:s1+s3], $0x80, v3, vm0, $0xb8;
	[tilespmem:$0x18100] =	vst v63  }
0xe0: {  	s10 =	simm.s32 $0x9800  }
0xe1: {  	[tilespmem:s10], [sflag:$0x1] =	stream.indirect_vreg.gather [hbm4b:s5+s3], $0x80, v3, vm0, $0xb8;
	[tilespmem:$0x18100] =	vst v63  }
0xe2: {  	s10 =	simm.s32 $0xA000  }
0xe3: {  	[tilespmem:s10], [sflag:$0x1] =	stream.indirect_vreg.gather [hbm4b:s6+s3], $0x80, v3, vm0, $0xb8;
	[tilespmem:$0x18100] =	vst v63  }
0xe4: {  	s10 =	simm.s32 $0xA800  }
0xe5: {  	[tilespmem:s10], [sflag:$0x1] =	stream.indirect_vreg.gather [hbm4b:s7+s3], $0x80, v3, vm0, $0xb8;
	[tilespmem:$0x18100] =	vst v63  }
0xe6: {  	s10 =	simm.s32 $0xB000  }
0xe7: {  	[tilespmem:s10], [sflag:$0x1] =	stream.indirect_vreg.gather [hbm4b:s8+s3], $0x80, v3, vm0, $0xb8;
	[tilespmem:$0x18100] =	vst v63  }
0xe8: {  	s10 =	simm.s32 $0xB800  }
0xe9: {  	[tilespmem:s10], [sflag:$0x1] =	stream.indirect_vreg.gather [hbm4b:s9+s3], $0x80, v3, vm0, $0xb8;
	[tilespmem:$0x18100] =	vst v63  }
0xea: {  	_ =	swait.ge [sflag:s22], $0xC000  }
0xeb: {  	[sflag:s22] =	ssyncset.done $0x0  }
0xec: {  	s10 =	sadd.s32 $0xFFFFE800, s26;
	[sflag:s22] =	ssyncadd.s32 $0xFFFF4000  }
0xed: {  	[hbm4b:s10+s3] =	stream.linear.scatter [tilespmem:s3], [sflag:$0x3], $0xC000, $0x38;
	[tilespmem:$0x18100] =	vst v63  }
0xee: {  	_ =	swait.ge [sflag:s25], $0xC000  }
0xef: {  	[sflag:s25] =	ssyncset.done $0x0  }
0xf0: {  	s29 =	sadd.s32 $0xC, s29;
	s10 =	simm.s32 $0x18080;
	[sflag:s25] =	ssyncadd.s32 $0xFFFF4000  }
0xf1: {  	[tilespmem:s10], [sflag:$0x6] =	stream.linear.gather [hbm4b:s29+s3], $0x20, $0x38;
	[tilespmem:$0x18100] =	vst v63  }
0xf2: {  	_ =	swait.ge [sflag:s18], $0x20  }
0xf3: {  	[sflag:s18] =	ssyncset.done $0x0  }
0xf4: {  	[sflag:s18] =	ssyncadd.s32 $0xFFFFFFE0  }
0xf5: {  	v3 =	vld [tilespmem:$0x18080];
	_ =	sdelay $0x4  }
0xf6: {  	v62 =	vshrl.u32 v3, $0x3  }
0xf7: {  	v4 =	vmul.u32 $0x60, v62  }
0xf8: {  	v3 =	vand.u32 $0x7, v3  }
0xf9: {  	v3 =	vor.u32 v3, v4  }
0xfa: {  	v4 =	vperm.xlane v3, v0;
	_ =	sdelay $0x1  }
0xfb: {  	v4 =	vadd.s32 v1, v4;
	_ =	sdelay $0x4  }
0xfc: {  	[tilespmem:s4], [sflag:$0x2] =	stream.indirect_vreg.gather [hbm4b:s1+s3], $0x80, v4, vm0, $0xb8;
	[tilespmem:$0x18100] =	vst v63  }
0xfd: {  	s30 =	simm.s32 $0xC800  }
0xfe: {  	[tilespmem:s30], [sflag:$0x2] =	stream.indirect_vreg.gather [hbm4b:s5+s3], $0x80, v4, vm0, $0xb8;
	[tilespmem:$0x18100] =	vst v63  }
0xff: {  	s10 =	simm.s32 $0xD000  }
0x100: {  	[tilespmem:s10], [sflag:$0x2] =	stream.indirect_vreg.gather [hbm4b:s6+s3], $0x80, v4, vm0, $0xb8;
	[tilespmem:$0x18100] =	vst v63  }
0x101: {  	v3 =	vperm.xlane v3, v2;
	s30 =	simm.s32 $0xD800  }
0x102: {  	[tilespmem:s30], [sflag:$0x2] =	stream.indirect_vreg.gather [hbm4b:s7+s3], $0x80, v4, vm0, $0xb8;
	[tilespmem:$0x18100] =	vst v63  }
0x103: {  	v3 =	vadd.s32 v1, v3;
	s10 =	simm.s32 $0xE000  }
0x104: {  	[tilespmem:s10], [sflag:$0x2] =	stream.indirect_vreg.gather [hbm4b:s8+s3], $0x80, v4, vm0, $0xb8;
	[tilespmem:$0x18100] =	vst v63  }
0x105: {  	s30 =	simm.s32 $0xE800  }
0x106: {  	[tilespmem:s30], [sflag:$0x2] =	stream.indirect_vreg.gather [hbm4b:s9+s3], $0x80, v4, vm0, $0xb8;
	[tilespmem:$0x18100] =	vst v63  }
0x107: {  	s10 =	simm.s32 $0xF000  }
0x108: {  	[tilespmem:s10], [sflag:$0x2] =	stream.indirect_vreg.gather [hbm4b:s1+s3], $0x80, v3, vm0, $0xb8;
	[tilespmem:$0x18100] =	vst v63  }
0x109: {  	s30 =	simm.s32 $0xF800  }
0x10a: {  	[tilespmem:s30], [sflag:$0x2] =	stream.indirect_vreg.gather [hbm4b:s5+s3], $0x80, v3, vm0, $0xb8;
	[tilespmem:$0x18100] =	vst v63  }
0x10b: {  	s10 =	simm.s32 $0x10000  }
0x10c: {  	[tilespmem:s10], [sflag:$0x2] =	stream.indirect_vreg.gather [hbm4b:s6+s3], $0x80, v3, vm0, $0xb8;
	[tilespmem:$0x18100] =	vst v63  }
0x10d: {  	s30 =	simm.s32 $0x10800  }
0x10e: {  	[tilespmem:s30], [sflag:$0x2] =	stream.indirect_vreg.gather [hbm4b:s7+s3], $0x80, v3, vm0, $0xb8;
	[tilespmem:$0x18100] =	vst v63  }
0x10f: {  	s10 =	simm.s32 $0x11000  }
0x110: {  	[tilespmem:s10], [sflag:$0x2] =	stream.indirect_vreg.gather [hbm4b:s8+s3], $0x80, v3, vm0, $0xb8;
	[tilespmem:$0x18100] =	vst v63  }
0x111: {  	s30 =	simm.s32 $0x11800  }
0x112: {  	[tilespmem:s30], [sflag:$0x2] =	stream.indirect_vreg.gather [hbm4b:s9+s3], $0x80, v3, vm0, $0xb8;
	[tilespmem:$0x18100] =	vst v63  }
0x113: {  	v3 =	vld [tilespmem:$0x18090];
	_ =	sdelay $0x4  }
0x114: {  	v63 =	vshrl.u32 v3, $0x3  }
0x115: {  	v4 =	vmul.u32 $0x60, v63  }
0x116: {  	v3 =	vand.u32 $0x7, v3  }
0x117: {  	v3 =	vor.u32 v3, v4  }
0x118: {  	v4 =	vperm.xlane v3, v0;
	_ =	sdelay $0x1  }
0x119: {  	v4 =	vadd.s32 v1, v4;
	_ =	sdelay $0x3  }
0x11a: {  	s10 =	simm.s32 $0x12000  }
0x11b: {  	[tilespmem:s10], [sflag:$0x2] =	stream.indirect_vreg.gather [hbm4b:s1+s3], $0x80, v4, vm0, $0xb8;
	[tilespmem:$0x18100] =	vst v63  }
0x11c: {  	s30 =	simm.s32 $0x12800  }
0x11d: {  	[tilespmem:s30], [sflag:$0x2] =	stream.indirect_vreg.gather [hbm4b:s5+s3], $0x80, v4, vm0, $0xb8;
	[tilespmem:$0x18100] =	vst v63  }
0x11e: {  	s10 =	simm.s32 $0x13000  }
0x11f: {  	[tilespmem:s10], [sflag:$0x2] =	stream.indirect_vreg.gather [hbm4b:s6+s3], $0x80, v4, vm0, $0xb8;
	[tilespmem:$0x18100] =	vst v63  }
0x120: {  	v3 =	vperm.xlane v3, v2;
	s30 =	simm.s32 $0x13800  }
0x121: {  	[tilespmem:s30], [sflag:$0x2] =	stream.indirect_vreg.gather [hbm4b:s7+s3], $0x80, v4, vm0, $0xb8;
	[tilespmem:$0x18100] =	vst v63  }
0x122: {  	v3 =	vadd.s32 v1, v3;
	s10 =	simm.s32 $0x14000  }
0x123: {  	[tilespmem:s10], [sflag:$0x2] =	stream.indirect_vreg.gather [hbm4b:s8+s3], $0x80, v4, vm0, $0xb8;
	[tilespmem:$0x18100] =	vst v63  }
0x124: {  	s30 =	simm.s32 $0x14800  }
0x125: {  	[tilespmem:s30], [sflag:$0x2] =	stream.indirect_vreg.gather [hbm4b:s9+s3], $0x80, v4, vm0, $0xb8;
	[tilespmem:$0x18100] =	vst v63  }
0x126: {  	s10 =	simm.s32 $0x15000  }
0x127: {  	[tilespmem:s10], [sflag:$0x2] =	stream.indirect_vreg.gather [hbm4b:s1+s3], $0x80, v3, vm0, $0xb8;
	[tilespmem:$0x18100] =	vst v63  }
0x128: {  	s30 =	simm.s32 $0x15800  }
0x129: {  	[tilespmem:s30], [sflag:$0x2] =	stream.indirect_vreg.gather [hbm4b:s5+s3], $0x80, v3, vm0, $0xb8;
	[tilespmem:$0x18100] =	vst v63  }
0x12a: {  	s10 =	simm.s32 $0x16000  }
0x12b: {  	[tilespmem:s10], [sflag:$0x2] =	stream.indirect_vreg.gather [hbm4b:s6+s3], $0x80, v3, vm0, $0xb8;
	[tilespmem:$0x18100] =	vst v63  }
0x12c: {  	s30 =	simm.s32 $0x16800  }
0x12d: {  	[tilespmem:s30], [sflag:$0x2] =	stream.indirect_vreg.gather [hbm4b:s7+s3], $0x80, v3, vm0, $0xb8;
	[tilespmem:$0x18100] =	vst v63  }
0x12e: {  	s10 =	simm.s32 $0x17000  }
0x12f: {  	[tilespmem:s10], [sflag:$0x2] =	stream.indirect_vreg.gather [hbm4b:s8+s3], $0x80, v3, vm0, $0xb8;
	[tilespmem:$0x18100] =	vst v63  }
0x130: {  	p0 =	sne.s32 s28, $0x10;
	s30 =	simm.s32 $0x17800  }
0x131: {  	[tilespmem:s30], [sflag:$0x2] =	stream.indirect_vreg.gather [hbm4b:s9+s3], $0x80, v3, vm0, $0xb8;
	[tilespmem:$0x18100] =	vst v63  }
.Ltmp0:
0x132: {  	_ =	swait.ge [sflag:s23], $0xC000;
	(pc) =	sbr.rel @p0 .LBB2_2-.Ltmp0, $4  }
0x133: {  	[sflag:s23] =	ssyncset.done $0x0  }
0x134: {  	[sflag:s23] =	ssyncadd.s32 $0xFFFF4000  }
0x135: {  	[hbm4b:s26+s3] =	stream.linear.scatter [tilespmem:s4], [sflag:$0x4], $0xC000, $0x38;
	[tilespmem:$0x18100] =	vst v63  }
0x136: {  	s28 =	sadd.s32 $0x8, s28;
	s26 =	sadd.s32 $0x3000, s26  }
0x137: {  	_ =	swait.ge [sflag:s24], $0xC000  }
0x138: {  	[sflag:s24] =	ssyncset.done $0x0  }
0x139: {  	[sflag:s24] =	ssyncadd.s32 $0xFFFF4000  }
0x13a: {  	s28 =	simm.s32 $0x18000;
	_ =	swait.ge [sflag:s25], $0xC000  }
0x13b: {  	s2 =	simm.s32 $0x1000;
	s4 =	simm.s32 $0x1800;
	s0 =	rddreg [dreg:$0xb]  }
0x13c: {  	s10 =	simm.s32 $0x2000;
	s26 =	rddreg [dreg:$0x9];
	s0 =	sadd.s32 $0x1, s0  }
0x13d: {  	s11 =	simm.s32 $0x2800;
	s12 =	simm.s32 $0x3000;
	p0 =	sne.s32 s0, s26  }
.Ltmp1:
0x13e: {  	s13 =	simm.s32 $0x3800;
	s14 =	simm.s32 $0x4000;
	(pc) =	sbr.rel @p0 .LBB2_1-.Ltmp1, $4  }
0x13f: {  	s15 =	simm.s32 $0x4800;
	s17 =	simm.s32 $0x5000;
	s20 =	simm.s32 $0x5800  }
0x140: {  	s21 =	simm.s32 $0x6000;
	s19 =	simm.s32 $0x6800;
	s29 =	simm.s32 $0x7000  }
0x141: {  	s30 =	simm.s32 $0x7800;
	s31 =	simm.s32 $0x8000;
	[sflag:s25] =	ssyncset.done $0x0  }
0x142: {  	[sflag:s25] =	ssyncadd.s32 $0xFFFF4000;
	[dreg:$0xb] =	wrdreg s0;
	s0 =	simm.s32 $0x800  }
0x143: {  	_ =	sfence.sel $0x180000  }
0x144: {  	[bflag:$0x0] =	sbarrier.arrive $0xFFFF  }
0x145: {  	_ =	strace $0x90000047  }
0x146: {  	s0 =	stileid.u32;
	[bflag:$0x2] =	sbarrier.arrive $0xFFFF  }
0x147: {  	p0 =	sne.s32 s0, $0x0;
	s0 =	rddreg [dreg:$0x3]  }
0x148: {  	s0 =	sadd.s32 @!p0 $0x100000, s0  }
0x149: {  	[sflag:s0] =	ssyncadd.tile.s32 @!p0 $0x1;
	_ =	shalt  }
.Lfunc_end2:
_tile_overlayer_lowered:
.L_overlay_start_2:
0x14a: {  	(tag) =	ssettag $0x2  }
0x14b: {  	s0 =	rddreg [dreg:$0x0];
	s2 =	stileid.u32  }
0x14c: {  	s1 =	rddreg [dreg:$0x1];
	p0 =	sne.s32 s2, $0x0  }
0x14d: {  	s3 =	rddreg [dreg:$0x2];
	[bflag:$0x3] =	sbarrier.arrive $0xFFFF;
	s2 =	simm.s32 @!p0 $0x1C07  }
0x14e: {  	[timem:s3], [sflag:s2] =	dma.local @!p0 [hbm:s0], s1  }
0x14f: {  	s0 =	simm.s32 @!p0 $0x7  }
0x150: {  	_ =	swait.ge @!p0 [sflag:s0], s1  }
0x151: {  	s1 =	ssub.s32 @!p0 $0x0, s1;
	[sflag:s0] =	ssyncset.done @!p0 $0x0  }
0x152: {  	[sflag:s0] =	ssyncadd.s32 @!p0 s1  }
0x153: {  	[bflag:$0x3] =	sbarrier.arrive $0xFFFF  }
0x154: {  	_ =	shalt  }

</sc_bundles>
